<compile_context>
chip_gen: v7x
topology: tpu7x:2x2x1
jax: 0.10.2.dev20260603
libtpu: 0.0.44.dev20260713+nightly
codegen_flags: <defaults>
</compile_context>

<pallas_src>
import functools

import numpy as np
import jax
import jax.numpy as jnp
from jax import lax
from jax.experimental import pallas as pl
from jax.experimental.pallas import tpu as pltpu
from jax.experimental.pallas import tpu_sc as plsc

_NUM_CLASSES = 599
_OUT_HW = 40
_IN_HW = 64
_PAD = 48
_B = 8
_N = 100
_C = 256
_NW = 32
_NPW = _N * _B // _NW
_IDXW = 112


def _build_ap() -> np.ndarray:
    s = (np.arange(_OUT_HW, dtype=np.float64) + 0.5) * (_IN_HW / _OUT_HW) - 0.5
    h0 = np.floor(s).astype(np.int64)
    frac = s - h0
    r = np.zeros((_OUT_HW, _IN_HW), dtype=np.float64)
    r[np.arange(_OUT_HW), h0] = 1.0 - frac
    r[np.arange(_OUT_HW), h0 + 1] = frac
    ap = np.zeros((_PAD, _IN_HW), dtype=np.float64)
    ap[1:_OUT_HW + 1] = np.cumsum(r, axis=0)
    return ap.astype(np.float32)


_AP = _build_ap()


def _matmul_kernel(a_ref, x_ref, o_ref):
    o_ref[0] = jnp.dot(a_ref[...], x_ref[0],
                       precision=lax.Precision.HIGHEST,
                       preferred_element_type=jnp.float32)


def _matmul_rhs_kernel(x_ref, a_ref, o_ref):
    o_ref[0] = lax.dot_general(
        x_ref[0], a_ref[...], (((1,), (1,)), ((), ())),
        precision=lax.Precision.HIGHEST,
        preferred_element_type=jnp.float32)


def _apply_ap_rhs(x, ap, mblk=2048):
    b, m, k = x.shape
    return pl.pallas_call(
        _matmul_rhs_kernel,
        grid=(b, m // mblk),
        in_specs=[
            pl.BlockSpec((1, mblk, k), lambda i, j: (i, j, 0)),
            pl.BlockSpec((_PAD, _IN_HW), lambda i, j: (0, 0)),
        ],
        out_specs=pl.BlockSpec((1, mblk, _PAD), lambda i, j: (i, j, 0)),
        out_shape=jax.ShapeDtypeStruct((b, m, _PAD), jnp.float32),
    )(x, ap)


def _apply_ap(x, ap):
    b, k, m = x.shape
    return pl.pallas_call(
        _matmul_kernel,
        grid=(b,),
        in_specs=[
            pl.BlockSpec((_PAD, _IN_HW), lambda i: (0, 0)),
            pl.BlockSpec((1, k, m), lambda i: (i, 0, 0)),
        ],
        out_specs=pl.BlockSpec((1, _PAD, m), lambda i: (i, 0, 0)),
        out_shape=jax.ShapeDtypeStruct((b, _PAD, m), jnp.float32),
    )(ap, x)


def _integral_kernel(x_ref, a_ref, o_ref):
    cb = x_ref.shape[1]
    x2 = x_ref[0].reshape(cb * _IN_HW, _IN_HW)
    t = lax.dot_general(x2, a_ref[...], (((1,), (1,)), ((), ())),
                        precision=lax.Precision.HIGHEST,
                        preferred_element_type=jnp.float32)
    xt = jnp.transpose(t.reshape(cb, _IN_HW, _PAD), (1, 2, 0))
    s = jnp.dot(a_ref[...], xt.reshape(_IN_HW, _PAD * cb),
                precision=lax.Precision.HIGHEST,
                preferred_element_type=jnp.float32)
    o_ref[0] = s.reshape(_PAD, _PAD, cb)


def _integral_table(x, ap, cblk=128):
    b, c, h, w0 = x.shape
    return pl.pallas_call(
        _integral_kernel,
        grid=(b, c // cblk),
        in_specs=[
            pl.BlockSpec((1, cblk, h, w0), lambda i, j: (i, j, 0, 0)),
            pl.BlockSpec((_PAD, _IN_HW), lambda i, j: (0, 0)),
        ],
        out_specs=pl.BlockSpec((1, _PAD, _PAD, cblk), lambda i, j: (i, 0, 0, j)),
        out_shape=jax.ShapeDtypeStruct((b, _PAD, _PAD, c), jnp.float32),
    )(x, ap)


def _gather_body(tab_hbm, idx_hbm, out_hbm, idx_v, rows_v, pooled_v, sem):
    wid = lax.axis_index("s") * 2 + lax.axis_index("c")
    pltpu.sync_copy(idx_hbm.at[wid], idx_v)
    pltpu.async_copy(tab_hbm.at[idx_v], rows_v, sem).wait()

    def body(i, carry):
        for j in range(_C // 16):
            sl = pl.ds(j * 16, 16)
            v = (rows_v[4 * i, sl] - rows_v[4 * i + 1, sl]
                 - rows_v[4 * i + 2, sl] + rows_v[4 * i + 3, sl])
            pooled_v[i, sl] = v
        return carry

    lax.fori_loop(0, _NPW, body, 0)
    pltpu.sync_copy(pooled_v, out_hbm.at[wid])


@functools.cache
def _gather_call():
    return functools.partial(
        pl.kernel,
        out_type=jax.ShapeDtypeStruct((_NW, _NPW, _C), jnp.float32),
        mesh=plsc.VectorSubcoreMesh(core_axis_name="c", subcore_axis_name="s",
                                    num_cores=2, num_subcores=16),
        scratch_types=[
            pltpu.VMEM((_IDXW,), jnp.int32),
            pltpu.VMEM((_IDXW, _C), jnp.float32),
            pltpu.VMEM((_NPW, _C), jnp.float32),
            pltpu.SemaphoreType.DMA,
        ],
    )(_gather_body)


def _segment_kernel(pooled_ref, boxes_ref, cls_ref, o_ref):
    boxes = boxes_ref[0]
    rb = jnp.round(boxes * jnp.float32(_OUT_HW / 1024.0))
    x1 = jnp.maximum(rb[:, 0:1], 0.0)
    y1 = jnp.maximum(rb[:, 1:2], 0.0)
    x2 = jnp.minimum(rb[:, 2:3], float(_OUT_HW))
    y2 = jnp.minimum(rb[:, 3:4], float(_OUT_HW))
    valid = (x1 < x2) & (y1 < y2)
    area = (x2 - x1) * (y2 - y1)
    w = jnp.where(valid, 1.0 / jnp.maximum(area, 1.0), 0.0)
    wp = pooled_ref[0] * w
    colv = valid.astype(jnp.float32)
    cls = cls_ref[0]
    ks = lax.broadcasted_iota(jnp.int32, (_NUM_CLASSES, _N), 0)
    m = (ks == cls).astype(jnp.float32)
    sums = jnp.dot(m, wp, precision=lax.Precision.HIGHEST,
                   preferred_element_type=jnp.float32)
    cnt = jnp.dot(m, colv, precision=lax.Precision.HIGHEST,
                  preferred_element_type=jnp.float32)
    o_ref[0] = sums * (1.0 / jnp.maximum(cnt, 1.0))


def kernel(features, gt_boxes, gt_classes):
    b, c, h, w0 = features.shape
    ap = jnp.asarray(_AP)

    ft = jnp.transpose(features, (0, 2, 3, 1)).reshape(b, h, w0 * c)
    u = _apply_ap(ft, ap)
    ut = (u.reshape(b, _PAD, w0, c).transpose(0, 2, 1, 3)
          .reshape(b, w0, _PAD * c))
    s = _apply_ap(ut, ap)
    tab = s.reshape(b * _PAD * _PAD, c)

    rb = jnp.round(gt_boxes * jnp.float32(_OUT_HW / 1024.0))
    x1 = jnp.clip(rb[..., 0], 0.0, float(_PAD - 1)).astype(jnp.int32)
    y1 = jnp.clip(rb[..., 1], 0.0, float(_PAD - 1)).astype(jnp.int32)
    x2 = jnp.clip(rb[..., 2], 0.0, float(_PAD - 1)).astype(jnp.int32)
    y2 = jnp.clip(rb[..., 3], 0.0, float(_PAD - 1)).astype(jnp.int32)
    base = (jnp.arange(b, dtype=jnp.int32) * (_PAD * _PAD))[:, None]
    corners = jnp.stack([
        base + x2 * _PAD + y2,
        base + x1 * _PAD + y2,
        base + x2 * _PAD + y1,
        base + x1 * _PAD + y1,
    ], axis=-1)
    idx = corners.reshape(_NW, 4 * _NPW)
    idx = jnp.pad(idx, ((0, 0), (0, _IDXW - 4 * _NPW)))

    pooled = _gather_call()(tab, idx).reshape(b, _N, c)

    cls3 = gt_classes.astype(jnp.int32).reshape(b, 1, _N)
    out = pl.pallas_call(
        _segment_kernel,
        grid=(b,),
        in_specs=[
            pl.BlockSpec((1, _N, c), lambda i: (i, 0, 0)),
            pl.BlockSpec((1, _N, 4), lambda i: (i, 0, 0)),
            pl.BlockSpec((1, 1, _N), lambda i: (i, 0, 0)),
        ],
        out_specs=pl.BlockSpec((1, _NUM_CLASSES, c), lambda i: (i, 0, 0)),
        out_shape=jax.ShapeDtypeStruct((b, _NUM_CLASSES, c), jnp.float32),
    )(pooled, gt_boxes, cls3)
    return out

# --- scband reference (transcript-rebuilt; emitter-appended) ---
"""Pipeline reference for scband-visual-prompt-encoder-25211458028072 (READ-ONLY COPY).

The authoritative reference and input builder live on the scoring server;
editing this copy changes nothing except your own understanding.
"""

import jax, jax.numpy as jnp
import numpy as np

NUM_CLASSES = 599
OUT_HW = 40
IMG_H = 1024.0
IMG_W = 1024.0


def _bilinear_resize(x, out_h, out_w):
    # matches torch F.interpolate(mode='bilinear', align_corners=False)
    return jax.image.resize(x, (x.shape[0], x.shape[1], out_h, out_w), method='bilinear', antialias=False)


def setup_inputs(seed: int = 0) -> dict:
    key = jax.random.key(seed)
    k1, k2, k3, k4 = jax.random.split(key, 4)
    B, C, H, W = 8, 256, 64, 64
    N = 100
    features = jax.random.normal(k1, (B, C, H, W), dtype=jnp.float32)
    # boxes in original-image coordinates (1024x1024), x1y1x2y2 with x1<x2, y1<y2
    xy1 = jax.random.uniform(k2, (B, N, 2), minval=0.0, maxval=900.0)
    wh = jax.random.uniform(k3, (B, N, 2), minval=30.0, maxval=300.0)
    xy2 = jnp.minimum(xy1 + wh, 1023.0)
    gt_boxes = jnp.concatenate([xy1, xy2], axis=-1).astype(jnp.float32)
    gt_classes = jax.random.randint(k4, (B, N), 0, NUM_CLASSES)
    return {"features": features, "gt_boxes": gt_boxes, "gt_classes": gt_classes}


def reference(features, gt_boxes, gt_classes):
    # Faithful port of VisualPromptEncoder._process_feature_map (eval mode):
    # 1) bilinear-resize last feature map to 40x40
    # 2) scale GT boxes from image coords to 40x40 grid, round, clamp
    # 3) adaptive_avg_pool2d((1,1)) over each box crop == masked mean over region
    # 4) per-class mean over pooled box features (segment reduce), zeros for empty classes
    B, C, H, W = features.shape
    resized = _bilinear_resize(features, OUT_HW, OUT_HW)  # [B,C,40,40]
    scale = jnp.array([OUT_HW / IMG_W, OUT_HW / IMG_H, OUT_HW / IMG_W, OUT_HW / IMG_H], dtype=features.dtype)
    boxes = gt_boxes * scale
    rb = jnp.round(boxes)
    x1 = jnp.maximum(rb[..., 0], 0.0)
    y1 = jnp.maximum(rb[..., 1], 0.0)
    x2 = jnp.minimum(rb[..., 2], float(OUT_HW))
    y2 = jnp.minimum(rb[..., 3], float(OUT_HW))
    valid = (x1 < x2) & (y1 < y2)  # [B,N]
    grid = jnp.arange(OUT_HW, dtype=features.dtype)
    mx = (grid[None, None, :] >= x1[..., None]) & (grid[None, None, :] < x2[..., None])  # [B,N,40]
    my = (grid[None, None, :] >= y1[..., None]) & (grid[None, None, :] < y2[..., None])  # [B,N,40]
    mask = (my[..., :, None] & mx[..., None, :]).astype(features.dtype)  # [B,N,40,40]
    mask = mask * valid[..., None, None].astype(features.dtype)
    area = jnp.maximum(mask.sum(axis=(-1, -2)), 1.0)  # [B,N]
    pooled = jnp.einsum('bchw,bnhw->bnc', resized, mask) / area[..., None]  # [B,N,C]
    valid_f = valid.astype(features.dtype)

    def per_batch(pooled_b, cls_b, valid_b):
        sums = jax.ops.segment_sum(pooled_b * valid_b[:, None], cls_b, num_segments=NUM_CLASSES)
        counts = jax.ops.segment_sum(valid_b, cls_b, num_segments=NUM_CLASSES)
        return sums / jnp.maximum(counts, 1.0)[:, None]

    out = jax.vmap(per_batch)(pooled, gt_classes, valid_f)  # [B,599,C]
    return out

if __name__ == "__main__":
    import jax
    _d = setup_inputs()
    print(jax.jit(kernel)(*tuple(_d.values())))

</pallas_src>

<mosaic_0001>
#map = affine_map<(d0, d1) -> (0, 0)>
#map1 = affine_map<(d0, d1) -> (0, 0, 0)>
module attributes {stable_mosaic.version = 14 : i64} {
  func.func @_gather_body(%arg0: i32, %arg1: i32, %arg2: memref<18432x256xf32, #tpu.memory_space<hbm>>, %arg3: memref<32x112xi32, #tpu.memory_space<hbm>>, %arg4: memref<32x25x256xf32, #tpu.memory_space<hbm>>, %arg5: memref<112xi32, #tpu.memory_space<vmem>>, %arg6: memref<112x256xf32, #tpu.memory_space<vmem>>, %arg7: memref<25x256xf32, #tpu.memory_space<vmem>>, %arg8: memref<!tpu.dma_semaphore, #tpu.memory_space<semaphore_mem>>) attributes {dimension_semantics = [#tpu.dimension_semantics<core_parallel>, #tpu.dimension_semantics<subcore_parallel>], iteration_bounds = array<i64: 2, 16>, scalar_prefetch = 0 : i64, scratch_operands = 4 : i64, tpu.core_type = #tpu.core_type<sc_vector_subcore>, window_params = [{transform_indices = #map}, {transform_indices = #map}, {transform_indices = #map1}]} {
    %mul3A = arith.constant 2 : i32
    %mul3A_0 = arith.muli %arg1, %mul3A : i32
    %add3A = arith.addi %mul3A_0, %arg0 : i32
    "tpu.region"() ({
      %run_scoped3A = tpu.sem_alloc : memref<!tpu.dma_semaphore, #tpu.memory_space<semaphore_mem>>
      %dma_start3A_10 = arith.constant 0 : i32
      %dma_start3A_11 = tpu.memref_slice %arg3[%add3A, %dma_start3A_10] : memref<32x112xi32, #tpu.memory_space<hbm>> -> memref<1x112xi32, #tpu.memory_space<hbm>>
      %dma_start3A_12 = tpu.memref_squeeze %dma_start3A_11 : memref<1x112xi32, #tpu.memory_space<hbm>> -> memref<112xi32, #tpu.memory_space<hbm>>
      %dma_start3A_13 = arith.constant 0 : i32
      %dma_start3A_14 = tpu.memref_slice %arg3[%add3A, %dma_start3A_13] : memref<32x112xi32, #tpu.memory_space<hbm>> -> memref<1x112xi32, #tpu.memory_space<hbm>>
      %dma_start3A_15 = tpu.memref_squeeze %dma_start3A_14 : memref<1x112xi32, #tpu.memory_space<hbm>> -> memref<112xi32, #tpu.memory_space<hbm>>
      tpu.enqueue_dma source(%dma_start3A_15 : memref<112xi32, #tpu.memory_space<hbm>>) target(%arg5 : memref<112xi32, #tpu.memory_space<vmem>>) target_semaphore(%run_scoped3A : memref<!tpu.dma_semaphore, #tpu.memory_space<semaphore_mem>>)
      %dma_wait3A_16 = arith.constant 0 : i32
      %dma_wait3A_17 = tpu.memref_slice %arg3[%add3A, %dma_wait3A_16] : memref<32x112xi32, #tpu.memory_space<hbm>> -> memref<1x112xi32, #tpu.memory_space<hbm>>
      %dma_wait3A_18 = tpu.memref_squeeze %dma_wait3A_17 : memref<1x112xi32, #tpu.memory_space<hbm>> -> memref<112xi32, #tpu.memory_space<hbm>>
      %dma_wait3A_19 = arith.constant 0 : i32
      %dma_wait3A_20 = tpu.memref_slice %arg3[%add3A, %dma_wait3A_19] : memref<32x112xi32, #tpu.memory_space<hbm>> -> memref<1x112xi32, #tpu.memory_space<hbm>>
      %dma_wait3A_21 = tpu.memref_squeeze %dma_wait3A_20 : memref<1x112xi32, #tpu.memory_space<hbm>> -> memref<112xi32, #tpu.memory_space<hbm>>
      tpu.wait_dma2 semaphore(%run_scoped3A : memref<!tpu.dma_semaphore, #tpu.memory_space<semaphore_mem>>) src(%dma_wait3A_21 : memref<112xi32, #tpu.memory_space<hbm>>) dst(%arg5 : memref<112xi32, #tpu.memory_space<vmem>>)
      tpu.yield
    }) : () -> ()
    %dma_start3A = arith.constant 0 : i32
    %dma_start3A_1 = arith.constant 0 : i32
    %dma_start3A_2 = tpu.memref_slice %arg2[%dma_start3A, %dma_start3A_1] : memref<18432x256xf32, #tpu.memory_space<hbm>> -> memref<18432x256xf32, #tpu.memory_space<hbm>>
    tpu.enqueue_indirect_dma source(%dma_start3A_2 : memref<18432x256xf32, #tpu.memory_space<hbm>>) target(%arg6 : memref<112x256xf32, #tpu.memory_space<vmem>>) offsets(%arg5 : memref<112xi32, #tpu.memory_space<vmem>>) semaphore(%arg8 : memref<!tpu.dma_semaphore, #tpu.memory_space<semaphore_mem>>)
    %dma_wait3A = arith.constant 0 : i32
    %dma_wait3A_3 = arith.constant 0 : i32
    %dma_wait3A_4 = tpu.memref_slice %arg2[%dma_wait3A, %dma_wait3A_3] : memref<18432x256xf32, #tpu.memory_space<hbm>> -> memref<18432x256xf32, #tpu.memory_space<hbm>>
    tpu.wait_indirect_dma semaphore(%arg8 : memref<!tpu.dma_semaphore, #tpu.memory_space<semaphore_mem>>) src(%dma_wait3A_4 : memref<18432x256xf32, #tpu.memory_space<hbm>>) dst(%arg6 : memref<112x256xf32, #tpu.memory_space<vmem>>)
    %scan3A = arith.constant 0 : i32
    %scan3A_5 = arith.constant 0 : i32
    %scan3A_6 = arith.constant 25 : i32
    %scan3A_7 = arith.addi %scan3A_5, %scan3A_6 : i32
    %scan3A_8 = arith.constant 1 : i32
    scf.for %scan3A_10 = %scan3A_5 to %scan3A_7 step %scan3A_8  : i32 {
      %mul3A_11 = arith.constant 4 : i32
      %mul3A_12 = arith.muli %mul3A_11, %scan3A_10 : i32
      %get3A = arith.index_cast %mul3A_12 : i32 to index
      %get3A_13 = arith.constant 0 : index
      %get3A_14 = tpu.vector_load %arg6[%get3A, %get3A_13] {strides = array<i32>} : memref<112x256xf32, #tpu.memory_space<vmem>>, vector<1x16xf32>,
      %get3A_15 = vector.shape_cast %get3A_14 : vector<1x16xf32> to vector<16xf32>
      %mul3A_16 = arith.constant 4 : i32
      %mul3A_17 = arith.muli %mul3A_16, %scan3A_10 : i32
      %add3A_18 = arith.constant 1 : i32
      %add3A_19 = arith.addi %mul3A_17, %add3A_18 : i32
      %get3A_20 = arith.index_cast %add3A_19 : i32 to index
      %get3A_21 = arith.constant 0 : index
      %get3A_22 = tpu.vector_load %arg6[%get3A_20, %get3A_21] {strides = array<i32>} : memref<112x256xf32, #tpu.memory_space<vmem>>, vector<1x16xf32>,
      %get3A_23 = vector.shape_cast %get3A_22 : vector<1x16xf32> to vector<16xf32>
      %sub3A = arith.subf %get3A_15, %get3A_23 : vector<16xf32>
      %mul3A_24 = arith.constant 4 : i32
      %mul3A_25 = arith.muli %mul3A_24, %scan3A_10 : i32
      %add3A_26 = arith.constant 2 : i32
      %add3A_27 = arith.addi %mul3A_25, %add3A_26 : i32
      %get3A_28 = arith.index_cast %add3A_27 : i32 to index
      %get3A_29 = arith.constant 0 : index
      %get3A_30 = tpu.vector_load %arg6[%get3A_28, %get3A_29] {strides = array<i32>} : memref<112x256xf32, #tpu.memory_space<vmem>>, vector<1x16xf32>,
      %get3A_31 = vector.shape_cast %get3A_30 : vector<1x16xf32> to vector<16xf32>
      %sub3A_32 = arith.subf %sub3A, %get3A_31 : vector<16xf32>
      %mul3A_33 = arith.constant 4 : i32
      %mul3A_34 = arith.muli %mul3A_33, %scan3A_10 : i32
      %add3A_35 = arith.constant 3 : i32
      %add3A_36 = arith.addi %mul3A_34, %add3A_35 : i32
      %get3A_37 = arith.index_cast %add3A_36 : i32 to index
      %get3A_38 = arith.constant 0 : index
      %get3A_39 = tpu.vector_load %arg6[%get3A_37, %get3A_38] {strides = array<i32>} : memref<112x256xf32, #tpu.memory_space<vmem>>, vector<1x16xf32>,
      %get3A_40 = vector.shape_cast %get3A_39 : vector<1x16xf32> to vector<16xf32>
      %add3A_41 = arith.addf %sub3A_32, %get3A_40 : vector<16xf32>
      %swap3A = arith.index_cast %scan3A_10 : i32 to index
      %swap3A_42 = arith.constant 0 : index
      %swap3A_43 = tpu.vector_load %arg7[%swap3A, %swap3A_42] {strides = array<i32>} : memref<25x256xf32, #tpu.memory_space<vmem>>, vector<1x16xf32>,
      %swap3A_44 = vector.shape_cast %swap3A_43 : vector<1x16xf32> to vector<16xf32>
      %swap3A_45 = vector.shape_cast %add3A_41 : vector<16xf32> to vector<1x16xf32>
      tpu.vector_store %arg7[%swap3A, %swap3A_42], %swap3A_45 {strides = array<i32>} : memref<25x256xf32, #tpu.memory_space<vmem>>, vector<1x16xf32>,
      %mul3A_46 = arith.constant 4 : i32
      %mul3A_47 = arith.muli %mul3A_46, %scan3A_10 : i32
      %get3A_48 = arith.index_cast %mul3A_47 : i32 to index
      %get3A_49 = arith.constant 16 : index
      %get3A_50 = tpu.vector_load %arg6[%get3A_48, %get3A_49] {strides = array<i32>} : memref<112x256xf32, #tpu.memory_space<vmem>>, vector<1x16xf32>,
      %get3A_51 = vector.shape_cast %get3A_50 : vector<1x16xf32> to vector<16xf32>
      %mul3A_52 = arith.constant 4 : i32
      %mul3A_53 = arith.muli %mul3A_52, %scan3A_10 : i32
      %add3A_54 = arith.constant 1 : i32
      %add3A_55 = arith.addi %mul3A_53, %add3A_54 : i32
      %get3A_56 = arith.index_cast %add3A_55 : i32 to index
      %get3A_57 = arith.constant 16 : index
      %get3A_58 = tpu.vector_load %arg6[%get3A_56, %get3A_57] {strides = array<i32>} : memref<112x256xf32, #tpu.memory_space<vmem>>, vector<1x16xf32>,
      %get3A_59 = vector.shape_cast %get3A_58 : vector<1x16xf32> to vector<16xf32>
      %sub3A_60 = arith.subf %get3A_51, %get3A_59 : vector<16xf32>
      %mul3A_61 = arith.constant 4 : i32
      %mul3A_62 = arith.muli %mul3A_61, %scan3A_10 : i32
      %add3A_63 = arith.constant 2 : i32
      %add3A_64 = arith.addi %mul3A_62, %add3A_63 : i32
      %get3A_65 = arith.index_cast %add3A_64 : i32 to index
      %get3A_66 = arith.constant 16 : index
      %get3A_67 = tpu.vector_load %arg6[%get3A_65, %get3A_66] {strides = array<i32>} : memref<112x256xf32, #tpu.memory_space<vmem>>, vector<1x16xf32>,
      %get3A_68 = vector.shape_cast %get3A_67 : vector<1x16xf32> to vector<16xf32>
      %sub3A_69 = arith.subf %sub3A_60, %get3A_68 : vector<16xf32>
      %mul3A_70 = arith.constant 4 : i32
      %mul3A_71 = arith.muli %mul3A_70, %scan3A_10 : i32
      %add3A_72 = arith.constant 3 : i32
      %add3A_73 = arith.addi %mul3A_71, %add3A_72 : i32
      %get3A_74 = arith.index_cast %add3A_73 : i32 to index
      %get3A_75 = arith.constant 16 : index
      %get3A_76 = tpu.vector_load %arg6[%get3A_74, %get3A_75] {strides = array<i32>} : memref<112x256xf32, #tpu.memory_space<vmem>>, vector<1x16xf32>,
      %get3A_77 = vector.shape_cast %get3A_76 : vector<1x16xf32> to vector<16xf32>
      %add3A_78 = arith.addf %sub3A_69, %get3A_77 : vector<16xf32>
      %swap3A_79 = arith.index_cast %scan3A_10 : i32 to index
      %swap3A_80 = arith.constant 16 : index
      %swap3A_81 = tpu.vector_load %arg7[%swap3A_79, %swap3A_80] {strides = array<i32>} : memref<25x256xf32, #tpu.memory_space<vmem>>, vector<1x16xf32>,
      %swap3A_82 = vector.shape_cast %swap3A_81 : vector<1x16xf32> to vector<16xf32>
      %swap3A_83 = vector.shape_cast %add3A_78 : vector<16xf32> to vector<1x16xf32>
      tpu.vector_store %arg7[%swap3A_79, %swap3A_80], %swap3A_83 {strides = array<i32>} : memref<25x256xf32, #tpu.memory_space<vmem>>, vector<1x16xf32>,
      %mul3A_84 = arith.constant 4 : i32
      %mul3A_85 = arith.muli %mul3A_84, %scan3A_10 : i32
      %get3A_86 = arith.index_cast %mul3A_85 : i32 to index
      %get3A_87 = arith.constant 32 : index
      %get3A_88 = tpu.vector_load %arg6[%get3A_86, %get3A_87] {strides = array<i32>} : memref<112x256xf32, #tpu.memory_space<vmem>>, vector<1x16xf32>,
      %get3A_89 = vector.shape_cast %get3A_88 : vector<1x16xf32> to vector<16xf32>
      %mul3A_90 = arith.constant 4 : i32
      %mul3A_91 = arith.muli %mul3A_90, %scan3A_10 : i32
      %add3A_92 = arith.constant 1 : i32
      %add3A_93 = arith.addi %mul3A_91, %add3A_92 : i32
      %get3A_94 = arith.index_cast %add3A_93 : i32 to index
      %get3A_95 = arith.constant 32 : index
      %get3A_96 = tpu.vector_load %arg6[%get3A_94, %get3A_95] {strides = array<i32>} : memref<112x256xf32, #tpu.memory_space<vmem>>, vector<1x16xf32>,
      %get3A_97 = vector.shape_cast %get3A_96 : vector<1x16xf32> to vector<16xf32>
      %sub3A_98 = arith.subf %get3A_89, %get3A_97 : vector<16xf32>
      %mul3A_99 = arith.constant 4 : i32
      %mul3A_100 = arith.muli %mul3A_99, %scan3A_10 : i32
      %add3A_101 = arith.constant 2 : i32
      %add3A_102 = arith.addi %mul3A_100, %add3A_101 : i32
      %get3A_103 = arith.index_cast %add3A_102 : i32 to index
      %get3A_104 = arith.constant 32 : index
      %get3A_105 = tpu.vector_load %arg6[%get3A_103, %get3A_104] {strides = array<i32>} : memref<112x256xf32, #tpu.memory_space<vmem>>, vector<1x16xf32>,
      %get3A_106 = vector.shape_cast %get3A_105 : vector<1x16xf32> to vector<16xf32>
      %sub3A_107 = arith.subf %sub3A_98, %get3A_106 : vector<16xf32>
      %mul3A_108 = arith.constant 4 : i32
      %mul3A_109 = arith.muli %mul3A_108, %scan3A_10 : i32
      %add3A_110 = arith.constant 3 : i32
      %add3A_111 = arith.addi %mul3A_109, %add3A_110 : i32
      %get3A_112 = arith.index_cast %add3A_111 : i32 to index
      %get3A_113 = arith.constant 32 : index
      %get3A_114 = tpu.vector_load %arg6[%get3A_112, %get3A_113] {strides = array<i32>} : memref<112x256xf32, #tpu.memory_space<vmem>>, vector<1x16xf32>,
      %get3A_115 = vector.shape_cast %get3A_114 : vector<1x16xf32> to vector<16xf32>
      %add3A_116 = arith.addf %sub3A_107, %get3A_115 : vector<16xf32>
      %swap3A_117 = arith.index_cast %scan3A_10 : i32 to index
      %swap3A_118 = arith.constant 32 : index
      %swap3A_119 = tpu.vector_load %arg7[%swap3A_117, %swap3A_118] {strides = array<i32>} : memref<25x256xf32, #tpu.memory_space<vmem>>, vector<1x16xf32>,
      %swap3A_120 = vector.shape_cast %swap3A_119 : vector<1x16xf32> to vector<16xf32>
      %swap3A_121 = vector.shape_cast %add3A_116 : vector<16xf32> to vector<1x16xf32>
      tpu.vector_store %arg7[%swap3A_117, %swap3A_118], %swap3A_121 {strides = array<i32>} : memref<25x256xf32, #tpu.memory_space<vmem>>, vector<1x16xf32>,
      %mul3A_122 = arith.constant 4 : i32
      %mul3A_123 = arith.muli %mul3A_122, %scan3A_10 : i32
      %get3A_124 = arith.index_cast %mul3A_123 : i32 to index
      %get3A_125 = arith.constant 48 : index
      %get3A_126 = tpu.vector_load %arg6[%get3A_124, %get3A_125] {strides = array<i32>} : memref<112x256xf32, #tpu.memory_space<vmem>>, vector<1x16xf32>,
      %get3A_127 = vector.shape_cast %get3A_126 : vector<1x16xf32> to vector<16xf32>
      %mul3A_128 = arith.constant 4 : i32
      %mul3A_129 = arith.muli %mul3A_128, %scan3A_10 : i32
      %add3A_130 = arith.constant 1 : i32
      %add3A_131 = arith.addi %mul3A_129, %add3A_130 : i32
      %get3A_132 = arith.index_cast %add3A_131 : i32 to index
      %get3A_133 = arith.constant 48 : index
      %get3A_134 = tpu.vector_load %arg6[%get3A_132, %get3A_133] {strides = array<i32>} : memref<112x256xf32, #tpu.memory_space<vmem>>, vector<1x16xf32>,
      %get3A_135 = vector.shape_cast %get3A_134 : vector<1x16xf32> to vector<16xf32>
      %sub3A_136 = arith.subf %get3A_127, %get3A_135 : vector<16xf32>
      %mul3A_137 = arith.constant 4 : i32
      %mul3A_138 = arith.muli %mul3A_137, %scan3A_10 : i32
      %add3A_139 = arith.constant 2 : i32
      %add3A_140 = arith.addi %mul3A_138, %add3A_139 : i32
      %get3A_141 = arith.index_cast %add3A_140 : i32 to index
      %get3A_142 = arith.constant 48 : index
      %get3A_143 = tpu.vector_load %arg6[%get3A_141, %get3A_142] {strides = array<i32>} : memref<112x256xf32, #tpu.memory_space<vmem>>, vector<1x16xf32>,
      %get3A_144 = vector.shape_cast %get3A_143 : vector<1x16xf32> to vector<16xf32>
      %sub3A_145 = arith.subf %sub3A_136, %get3A_144 : vector<16xf32>
      %mul3A_146 = arith.constant 4 : i32
      %mul3A_147 = arith.muli %mul3A_146, %scan3A_10 : i32
      %add3A_148 = arith.constant 3 : i32
      %add3A_149 = arith.addi %mul3A_147, %add3A_148 : i32
      %get3A_150 = arith.index_cast %add3A_149 : i32 to index
      %get3A_151 = arith.constant 48 : index
      %get3A_152 = tpu.vector_load %arg6[%get3A_150, %get3A_151] {strides = array<i32>} : memref<112x256xf32, #tpu.memory_space<vmem>>, vector<1x16xf32>,
      %get3A_153 = vector.shape_cast %get3A_152 : vector<1x16xf32> to vector<16xf32>
      %add3A_154 = arith.addf %sub3A_145, %get3A_153 : vector<16xf32>
      %swap3A_155 = arith.index_cast %scan3A_10 : i32 to index
      %swap3A_156 = arith.constant 48 : index
      %swap3A_157 = tpu.vector_load %arg7[%swap3A_155, %swap3A_156] {strides = array<i32>} : memref<25x256xf32, #tpu.memory_space<vmem>>, vector<1x16xf32>,
      %swap3A_158 = vector.shape_cast %swap3A_157 : vector<1x16xf32> to vector<16xf32>
      %swap3A_159 = vector.shape_cast %add3A_154 : vector<16xf32> to vector<1x16xf32>
      tpu.vector_store %arg7[%swap3A_155, %swap3A_156], %swap3A_159 {strides = array<i32>} : memref<25x256xf32, #tpu.memory_space<vmem>>, vector<1x16xf32>,
      %mul3A_160 = arith.constant 4 : i32
      %mul3A_161 = arith.muli %mul3A_160, %scan3A_10 : i32
      %get3A_162 = arith.index_cast %mul3A_161 : i32 to index
      %get3A_163 = arith.constant 64 : index
      %get3A_164 = tpu.vector_load %arg6[%get3A_162, %get3A_163] {strides = array<i32>} : memref<112x256xf32, #tpu.memory_space<vmem>>, vector<1x16xf32>,
      %get3A_165 = vector.shape_cast %get3A_164 : vector<1x16xf32> to vector<16xf32>
      %mul3A_166 = arith.constant 4 : i32
      %mul3A_167 = arith.muli %mul3A_166, %scan3A_10 : i32
      %add3A_168 = arith.constant 1 : i32
      %add3A_169 = arith.addi %mul3A_167, %add3A_168 : i32
      %get3A_170 = arith.index_cast %add3A_169 : i32 to index
      %get3A_171 = arith.constant 64 : index
      %get3A_172 = tpu.vector_load %arg6[%get3A_170, %get3A_171] {strides = array<i32>} : memref<112x256xf32, #tpu.memory_space<vmem>>, vector<1x16xf32>,
      %get3A_173 = vector.shape_cast %get3A_172 : vector<1x16xf32> to vector<16xf32>
      %sub3A_174 = arith.subf %get3A_165, %get3A_173 : vector<16xf32>
      %mul3A_175 = arith.constant 4 : i32
      %mul3A_176 = arith.muli %mul3A_175, %scan3A_10 : i32
      %add3A_177 = arith.constant 2 : i32
      %add3A_178 = arith.addi %mul3A_176, %add3A_177 : i32
      %get3A_179 = arith.index_cast %add3A_178 : i32 to index
      %get3A_180 = arith.constant 64 : index
      %get3A_181 = tpu.vector_load %arg6[%get3A_179, %get3A_180] {strides = array<i32>} : memref<112x256xf32, #tpu.memory_space<vmem>>, vector<1x16xf32>,
      %get3A_182 = vector.shape_cast %get3A_181 : vector<1x16xf32> to vector<16xf32>
      %sub3A_183 = arith.subf %sub3A_174, %get3A_182 : vector<16xf32>
      %mul3A_184 = arith.constant 4 : i32
      %mul3A_185 = arith.muli %mul3A_184, %scan3A_10 : i32
      %add3A_186 = arith.constant 3 : i32
      %add3A_187 = arith.addi %mul3A_185, %add3A_186 : i32
      %get3A_188 = arith.index_cast %add3A_187 : i32 to index
      %get3A_189 = arith.constant 64 : index
      %get3A_190 = tpu.vector_load %arg6[%get3A_188, %get3A_189] {strides = array<i32>} : memref<112x256xf32, #tpu.memory_space<vmem>>, vector<1x16xf32>,
      %get3A_191 = vector.shape_cast %get3A_190 : vector<1x16xf32> to vector<16xf32>
      %add3A_192 = arith.addf %sub3A_183, %get3A_191 : vector<16xf32>
      %swap3A_193 = arith.index_cast %scan3A_10 : i32 to index
      %swap3A_194 = arith.constant 64 : index
      %swap3A_195 = tpu.vector_load %arg7[%swap3A_193, %swap3A_194] {strides = array<i32>} : memref<25x256xf32, #tpu.memory_space<vmem>>, vector<1x16xf32>,
      %swap3A_196 = vector.shape_cast %swap3A_195 : vector<1x16xf32> to vector<16xf32>
      %swap3A_197 = vector.shape_cast %add3A_192 : vector<16xf32> to vector<1x16xf32>
      tpu.vector_store %arg7[%swap3A_193, %swap3A_194], %swap3A_197 {strides = array<i32>} : memref<25x256xf32, #tpu.memory_space<vmem>>, vector<1x16xf32>,
      %mul3A_198 = arith.constant 4 : i32
      %mul3A_199 = arith.muli %mul3A_198, %scan3A_10 : i32
      %get3A_200 = arith.index_cast %mul3A_199 : i32 to index
      %get3A_201 = arith.constant 80 : index
      %get3A_202 = tpu.vector_load %arg6[%get3A_200, %get3A_201] {strides = array<i32>} : memref<112x256xf32, #tpu.memory_space<vmem>>, vector<1x16xf32>,
      %get3A_203 = vector.shape_cast %get3A_202 : vector<1x16xf32> to vector<16xf32>
      %mul3A_204 = arith.constant 4 : i32
      %mul3A_205 = arith.muli %mul3A_204, %scan3A_10 : i32
      %add3A_206 = arith.constant 1 : i32
      %add3A_207 = arith.addi %mul3A_205, %add3A_206 : i32
      %get3A_208 = arith.index_cast %add3A_207 : i32 to index
      %get3A_209 = arith.constant 80 : index
      %get3A_210 = tpu.vector_load %arg6[%get3A_208, %get3A_209] {strides = array<i32>} : memref<112x256xf32, #tpu.memory_space<vmem>>, vector<1x16xf32>,
      %get3A_211 = vector.shape_cast %get3A_210 : vector<1x16xf32> to vector<16xf32>
      %sub3A_212 = arith.subf %get3A_203, %get3A_211 : vector<16xf32>
      %mul3A_213 = arith.constant 4 : i32
      %mul3A_214 = arith.muli %mul3A_213, %scan3A_10 : i32
      %add3A_215 = arith.constant 2 : i32
      %add3A_216 = arith.addi %mul3A_214, %add3A_215 : i32
      %get3A_217 = arith.index_cast %add3A_216 : i32 to index
      %get3A_218 = arith.constant 80 : index
      %get3A_219 = tpu.vector_load %arg6[%get3A_217, %get3A_218] {strides = array<i32>} : memref<112x256xf32, #tpu.memory_space<vmem>>, vector<1x16xf32>,
      %get3A_220 = vector.shape_cast %get3A_219 : vector<1x16xf32> to vector<16xf32>
      %sub3A_221 = arith.subf %sub3A_212, %get3A_220 : vector<16xf32>
      %mul3A_222 = arith.constant 4 : i32
      %mul3A_223 = arith.muli %mul3A_222, %scan3A_10 : i32
      %add3A_224 = arith.constant 3 : i32
      %add3A_225 = arith.addi %mul3A_223, %add3A_224 : i32
      %get3A_226 = arith.index_cast %add3A_225 : i32 to index
      %get3A_227 = arith.constant 80 : index
      %get3A_228 = tpu.vector_load %arg6[%get3A_226, %get3A_227] {strides = array<i32>} : memref<112x256xf32, #tpu.memory_space<vmem>>, vector<1x16xf32>,
      %get3A_229 = vector.shape_cast %get3A_228 : vector<1x16xf32> to vector<16xf32>
      %add3A_230 = arith.addf %sub3A_221, %get3A_229 : vector<16xf32>
      %swap3A_231 = arith.index_cast %scan3A_10 : i32 to index
      %swap3A_232 = arith.constant 80 : index
      %swap3A_233 = tpu.vector_load %arg7[%swap3A_231, %swap3A_232] {strides = array<i32>} : memref<25x256xf32, #tpu.memory_space<vmem>>, vector<1x16xf32>,
      %swap3A_234 = vector.shape_cast %swap3A_233 : vector<1x16xf32> to vector<16xf32>
      %swap3A_235 = vector.shape_cast %add3A_230 : vector<16xf32> to vector<1x16xf32>
      tpu.vector_store %arg7[%swap3A_231, %swap3A_232], %swap3A_235 {strides = array<i32>} : memref<25x256xf32, #tpu.memory_space<vmem>>, vector<1x16xf32>,
      %mul3A_236 = arith.constant 4 : i32
      %mul3A_237 = arith.muli %mul3A_236, %scan3A_10 : i32
      %get3A_238 = arith.index_cast %mul3A_237 : i32 to index
      %get3A_239 = arith.constant 96 : index
      %get3A_240 = tpu.vector_load %arg6[%get3A_238, %get3A_239] {strides = array<i32>} : memref<112x256xf32, #tpu.memory_space<vmem>>, vector<1x16xf32>,
      %get3A_241 = vector.shape_cast %get3A_240 : vector<1x16xf32> to vector<16xf32>
      %mul3A_242 = arith.constant 4 : i32
      %mul3A_243 = arith.muli %mul3A_242, %scan3A_10 : i32
      %add3A_244 = arith.constant 1 : i32
      %add3A_245 = arith.addi %mul3A_243, %add3A_244 : i32
      %get3A_246 = arith.index_cast %add3A_245 : i32 to index
      %get3A_247 = arith.constant 96 : index
      %get3A_248 = tpu.vector_load %arg6[%get3A_246, %get3A_247] {strides = array<i32>} : memref<112x256xf32, #tpu.memory_space<vmem>>, vector<1x16xf32>,
      %get3A_249 = vector.shape_cast %get3A_248 : vector<1x16xf32> to vector<16xf32>
      %sub3A_250 = arith.subf %get3A_241, %get3A_249 : vector<16xf32>
      %mul3A_251 = arith.constant 4 : i32
      %mul3A_252 = arith.muli %mul3A_251, %scan3A_10 : i32
      %add3A_253 = arith.constant 2 : i32
      %add3A_254 = arith.addi %mul3A_252, %add3A_253 : i32
      %get3A_255 = arith.index_cast %add3A_254 : i32 to index
      %get3A_256 = arith.constant 96 : index
      %get3A_257 = tpu.vector_load %arg6[%get3A_255, %get3A_256] {strides = array<i32>} : memref<112x256xf32, #tpu.memory_space<vmem>>, vector<1x16xf32>,
      %get3A_258 = vector.shape_cast %get3A_257 : vector<1x16xf32> to vector<16xf32>
      %sub3A_259 = arith.subf %sub3A_250, %get3A_258 : vector<16xf32>
      %mul3A_260 = arith.constant 4 : i32
      %mul3A_261 = arith.muli %mul3A_260, %scan3A_10 : i32
      %add3A_262 = arith.constant 3 : i32
      %add3A_263 = arith.addi %mul3A_261, %add3A_262 : i32
      %get3A_264 = arith.index_cast %add3A_263 : i32 to index
      %get3A_265 = arith.constant 96 : index
      %get3A_266 = tpu.vector_load %arg6[%get3A_264, %get3A_265] {strides = array<i32>} : memref<112x256xf32, #tpu.memory_space<vmem>>, vector<1x16xf32>,
      %get3A_267 = vector.shape_cast %get3A_266 : vector<1x16xf32> to vector<16xf32>
      %add3A_268 = arith.addf %sub3A_259, %get3A_267 : vector<16xf32>
      %swap3A_269 = arith.index_cast %scan3A_10 : i32 to index
      %swap3A_270 = arith.constant 96 : index
      %swap3A_271 = tpu.vector_load %arg7[%swap3A_269, %swap3A_270] {strides = array<i32>} : memref<25x256xf32, #tpu.memory_space<vmem>>, vector<1x16xf32>,
      %swap3A_272 = vector.shape_cast %swap3A_271 : vector<1x16xf32> to vector<16xf32>
      %swap3A_273 = vector.shape_cast %add3A_268 : vector<16xf32> to vector<1x16xf32>
      tpu.vector_store %arg7[%swap3A_269, %swap3A_270], %swap3A_273 {strides = array<i32>} : memref<25x256xf32, #tpu.memory_space<vmem>>, vector<1x16xf32>,
      %mul3A_274 = arith.constant 4 : i32
      %mul3A_275 = arith.muli %mul3A_274, %scan3A_10 : i32
      %get3A_276 = arith.index_cast %mul3A_275 : i32 to index
      %get3A_277 = arith.constant 112 : index
      %get3A_278 = tpu.vector_load %arg6[%get3A_276, %get3A_277] {strides = array<i32>} : memref<112x256xf32, #tpu.memory_space<vmem>>, vector<1x16xf32>,
      %get3A_279 = vector.shape_cast %get3A_278 : vector<1x16xf32> to vector<16xf32>
      %mul3A_280 = arith.constant 4 : i32
      %mul3A_281 = arith.muli %mul3A_280, %scan3A_10 : i32
      %add3A_282 = arith.constant 1 : i32
      %add3A_283 = arith.addi %mul3A_281, %add3A_282 : i32
      %get3A_284 = arith.index_cast %add3A_283 : i32 to index
      %get3A_285 = arith.constant 112 : index
      %get3A_286 = tpu.vector_load %arg6[%get3A_284, %get3A_285] {strides = array<i32>} : memref<112x256xf32, #tpu.memory_space<vmem>>, vector<1x16xf32>,
      %get3A_287 = vector.shape_cast %get3A_286 : vector<1x16xf32> to vector<16xf32>
      %sub3A_288 = arith.subf %get3A_279, %get3A_287 : vector<16xf32>
      %mul3A_289 = arith.constant 4 : i32
      %mul3A_290 = arith.muli %mul3A_289, %scan3A_10 : i32
      %add3A_291 = arith.constant 2 : i32
      %add3A_292 = arith.addi %mul3A_290, %add3A_291 : i32
      %get3A_293 = arith.index_cast %add3A_292 : i32 to index
      %get3A_294 = arith.constant 112 : index
      %get3A_295 = tpu.vector_load %arg6[%get3A_293, %get3A_294] {strides = array<i32>} : memref<112x256xf32, #tpu.memory_space<vmem>>, vector<1x16xf32>,
      %get3A_296 = vector.shape_cast %get3A_295 : vector<1x16xf32> to vector<16xf32>
      %sub3A_297 = arith.subf %sub3A_288, %get3A_296 : vector<16xf32>
      %mul3A_298 = arith.constant 4 : i32
      %mul3A_299 = arith.muli %mul3A_298, %scan3A_10 : i32
      %add3A_300 = arith.constant 3 : i32
      %add3A_301 = arith.addi %mul3A_299, %add3A_300 : i32
      %get3A_302 = arith.index_cast %add3A_301 : i32 to index
      %get3A_303 = arith.constant 112 : index
      %get3A_304 = tpu.vector_load %arg6[%get3A_302, %get3A_303] {strides = array<i32>} : memref<112x256xf32, #tpu.memory_space<vmem>>, vector<1x16xf32>,
      %get3A_305 = vector.shape_cast %get3A_304 : vector<1x16xf32> to vector<16xf32>
      %add3A_306 = arith.addf %sub3A_297, %get3A_305 : vector<16xf32>
      %swap3A_307 = arith.index_cast %scan3A_10 : i32 to index
      %swap3A_308 = arith.constant 112 : index
      %swap3A_309 = tpu.vector_load %arg7[%swap3A_307, %swap3A_308] {strides = array<i32>} : memref<25x256xf32, #tpu.memory_space<vmem>>, vector<1x16xf32>,
      %swap3A_310 = vector.shape_cast %swap3A_309 : vector<1x16xf32> to vector<16xf32>
      %swap3A_311 = vector.shape_cast %add3A_306 : vector<16xf32> to vector<1x16xf32>
      tpu.vector_store %arg7[%swap3A_307, %swap3A_308], %swap3A_311 {strides = array<i32>} : memref<25x256xf32, #tpu.memory_space<vmem>>, vector<1x16xf32>,
      %mul3A_312 = arith.constant 4 : i32
      %mul3A_313 = arith.muli %mul3A_312, %scan3A_10 : i32
      %get3A_314 = arith.index_cast %mul3A_313 : i32 to index
      %get3A_315 = arith.constant 128 : index
      %get3A_316 = tpu.vector_load %arg6[%get3A_314, %get3A_315] {strides = array<i32>} : memref<112x256xf32, #tpu.memory_space<vmem>>, vector<1x16xf32>,
      %get3A_317 = vector.shape_cast %get3A_316 : vector<1x16xf32> to vector<16xf32>
      %mul3A_318 = arith.constant 4 : i32
      %mul3A_319 = arith.muli %mul3A_318, %scan3A_10 : i32
      %add3A_320 = arith.constant 1 : i32
      %add3A_321 = arith.addi %mul3A_319, %add3A_320 : i32
      %get3A_322 = arith.index_cast %add3A_321 : i32 to index
      %get3A_323 = arith.constant 128 : index
      %get3A_324 = tpu.vector_load %arg6[%get3A_322, %get3A_323] {strides = array<i32>} : memref<112x256xf32, #tpu.memory_space<vmem>>, vector<1x16xf32>,
      %get3A_325 = vector.shape_cast %get3A_324 : vector<1x16xf32> to vector<16xf32>
      %sub3A_326 = arith.subf %get3A_317, %get3A_325 : vector<16xf32>
      %mul3A_327 = arith.constant 4 : i32
      %mul3A_328 = arith.muli %mul3A_327, %scan3A_10 : i32
      %add3A_329 = arith.constant 2 : i32
      %add3A_330 = arith.addi %mul3A_328, %add3A_329 : i32
      %get3A_331 = arith.index_cast %add3A_330 : i32 to index
      %get3A_332 = arith.constant 128 : index
      %get3A_333 = tpu.vector_load %arg6[%get3A_331, %get3A_332] {strides = array<i32>} : memref<112x256xf32, #tpu.memory_space<vmem>>, vector<1x16xf32>,
      %get3A_334 = vector.shape_cast %get3A_333 : vector<1x16xf32> to vector<16xf32>
      %sub3A_335 = arith.subf %sub3A_326, %get3A_334 : vector<16xf32>
      %mul3A_336 = arith.constant 4 : i32
      %mul3A_337 = arith.muli %mul3A_336, %scan3A_10 : i32
      %add3A_338 = arith.constant 3 : i32
      %add3A_339 = arith.addi %mul3A_337, %add3A_338 : i32
      %get3A_340 = arith.index_cast %add3A_339 : i32 to index
      %get3A_341 = arith.constant 128 : index
      %get3A_342 = tpu.vector_load %arg6[%get3A_340, %get3A_341] {strides = array<i32>} : memref<112x256xf32, #tpu.memory_space<vmem>>, vector<1x16xf32>,
      %get3A_343 = vector.shape_cast %get3A_342 : vector<1x16xf32> to vector<16xf32>
      %add3A_344 = arith.addf %sub3A_335, %get3A_343 : vector<16xf32>
      %swap3A_345 = arith.index_cast %scan3A_10 : i32 to index
      %swap3A_346 = arith.constant 128 : index
      %swap3A_347 = tpu.vector_load %arg7[%swap3A_345, %swap3A_346] {strides = array<i32>} : memref<25x256xf32, #tpu.memory_space<vmem>>, vector<1x16xf32>,
      %swap3A_348 = vector.shape_cast %swap3A_347 : vector<1x16xf32> to vector<16xf32>
      %swap3A_349 = vector.shape_cast %add3A_344 : vector<16xf32> to vector<1x16xf32>
      tpu.vector_store %arg7[%swap3A_345, %swap3A_346], %swap3A_349 {strides = array<i32>} : memref<25x256xf32, #tpu.memory_space<vmem>>, vector<1x16xf32>,
      %mul3A_350 = arith.constant 4 : i32
      %mul3A_351 = arith.muli %mul3A_350, %scan3A_10 : i32
      %get3A_352 = arith.index_cast %mul3A_351 : i32 to index
      %get3A_353 = arith.constant 144 : index
      %get3A_354 = tpu.vector_load %arg6[%get3A_352, %get3A_353] {strides = array<i32>} : memref<112x256xf32, #tpu.memory_space<vmem>>, vector<1x16xf32>,
      %get3A_355 = vector.shape_cast %get3A_354 : vector<1x16xf32> to vector<16xf32>
      %mul3A_356 = arith.constant 4 : i32
      %mul3A_357 = arith.muli %mul3A_356, %scan3A_10 : i32
      %add3A_358 = arith.constant 1 : i32
      %add3A_359 = arith.addi %mul3A_357, %add3A_358 : i32
      %get3A_360 = arith.index_cast %add3A_359 : i32 to index
      %get3A_361 = arith.constant 144 : index
      %get3A_362 = tpu.vector_load %arg6[%get3A_360, %get3A_361] {strides = array<i32>} : memref<112x256xf32, #tpu.memory_space<vmem>>, vector<1x16xf32>,
      %get3A_363 = vector.shape_cast %get3A_362 : vector<1x16xf32> to vector<16xf32>
      %sub3A_364 = arith.subf %get3A_355, %get3A_363 : vector<16xf32>
      %mul3A_365 = arith.constant 4 : i32
      %mul3A_366 = arith.muli %mul3A_365, %scan3A_10 : i32
      %add3A_367 = arith.constant 2 : i32
      %add3A_368 = arith.addi %mul3A_366, %add3A_367 : i32
      %get3A_369 = arith.index_cast %add3A_368 : i32 to index
      %get3A_370 = arith.constant 144 : index
      %get3A_371 = tpu.vector_load %arg6[%get3A_369, %get3A_370] {strides = array<i32>} : memref<112x256xf32, #tpu.memory_space<vmem>>, vector<1x16xf32>,
      %get3A_372 = vector.shape_cast %get3A_371 : vector<1x16xf32> to vector<16xf32>
      %sub3A_373 = arith.subf %sub3A_364, %get3A_372 : vector<16xf32>
      %mul3A_374 = arith.constant 4 : i32
      %mul3A_375 = arith.muli %mul3A_374, %scan3A_10 : i32
      %add3A_376 = arith.constant 3 : i32
      %add3A_377 = arith.addi %mul3A_375, %add3A_376 : i32
      %get3A_378 = arith.index_cast %add3A_377 : i32 to index
      %get3A_379 = arith.constant 144 : index
      %get3A_380 = tpu.vector_load %arg6[%get3A_378, %get3A_379] {strides = array<i32>} : memref<112x256xf32, #tpu.memory_space<vmem>>, vector<1x16xf32>,
      %get3A_381 = vector.shape_cast %get3A_380 : vector<1x16xf32> to vector<16xf32>
      %add3A_382 = arith.addf %sub3A_373, %get3A_381 : vector<16xf32>
      %swap3A_383 = arith.index_cast %scan3A_10 : i32 to index
      %swap3A_384 = arith.constant 144 : index
      %swap3A_385 = tpu.vector_load %arg7[%swap3A_383, %swap3A_384] {strides = array<i32>} : memref<25x256xf32, #tpu.memory_space<vmem>>, vector<1x16xf32>,
      %swap3A_386 = vector.shape_cast %swap3A_385 : vector<1x16xf32> to vector<16xf32>
      %swap3A_387 = vector.shape_cast %add3A_382 : vector<16xf32> to vector<1x16xf32>
      tpu.vector_store %arg7[%swap3A_383, %swap3A_384], %swap3A_387 {strides = array<i32>} : memref<25x256xf32, #tpu.memory_space<vmem>>, vector<1x16xf32>,
      %mul3A_388 = arith.constant 4 : i32
      %mul3A_389 = arith.muli %mul3A_388, %scan3A_10 : i32
      %get3A_390 = arith.index_cast %mul3A_389 : i32 to index
      %get3A_391 = arith.constant 160 : index
      %get3A_392 = tpu.vector_load %arg6[%get3A_390, %get3A_391] {strides = array<i32>} : memref<112x256xf32, #tpu.memory_space<vmem>>, vector<1x16xf32>,
      %get3A_393 = vector.shape_cast %get3A_392 : vector<1x16xf32> to vector<16xf32>
      %mul3A_394 = arith.constant 4 : i32
      %mul3A_395 = arith.muli %mul3A_394, %scan3A_10 : i32
      %add3A_396 = arith.constant 1 : i32
      %add3A_397 = arith.addi %mul3A_395, %add3A_396 : i32
      %get3A_398 = arith.index_cast %add3A_397 : i32 to index
      %get3A_399 = arith.constant 160 : index
      %get3A_400 = tpu.vector_load %arg6[%get3A_398, %get3A_399] {strides = array<i32>} : memref<112x256xf32, #tpu.memory_space<vmem>>, vector<1x16xf32>,
      %get3A_401 = vector.shape_cast %get3A_400 : vector<1x16xf32> to vector<16xf32>
      %sub3A_402 = arith.subf %get3A_393, %get3A_401 : vector<16xf32>
      %mul3A_403 = arith.constant 4 : i32
      %mul3A_404 = arith.muli %mul3A_403, %scan3A_10 : i32
      %add3A_405 = arith.constant 2 : i32
      %add3A_406 = arith.addi %mul3A_404, %add3A_405 : i32
      %get3A_407 = arith.index_cast %add3A_406 : i32 to index
      %get3A_408 = arith.constant 160 : index
      %get3A_409 = tpu.vector_load %arg6[%get3A_407, %get3A_408] {strides = array<i32>} : memref<112x256xf32, #tpu.memory_space<vmem>>, vector<1x16xf32>,
      %get3A_410 = vector.shape_cast %get3A_409 : vector<1x16xf32> to vector<16xf32>
      %sub3A_411 = arith.subf %sub3A_402, %get3A_410 : vector<16xf32>
      %mul3A_412 = arith.constant 4 : i32
      %mul3A_413 = arith.muli %mul3A_412, %scan3A_10 : i32
      %add3A_414 = arith.constant 3 : i32
      %add3A_415 = arith.addi %mul3A_413, %add3A_414 : i32
      %get3A_416 = arith.index_cast %add3A_415 : i32 to index
      %get3A_417 = arith.constant 160 : index
      %get3A_418 = tpu.vector_load %arg6[%get3A_416, %get3A_417] {strides = array<i32>} : memref<112x256xf32, #tpu.memory_space<vmem>>, vector<1x16xf32>,
      %get3A_419 = vector.shape_cast %get3A_418 : vector<1x16xf32> to vector<16xf32>
      %add3A_420 = arith.addf %sub3A_411, %get3A_419 : vector<16xf32>
      %swap3A_421 = arith.index_cast %scan3A_10 : i32 to index
      %swap3A_422 = arith.constant 160 : index
      %swap3A_423 = tpu.vector_load %arg7[%swap3A_421, %swap3A_422] {strides = array<i32>} : memref<25x256xf32, #tpu.memory_space<vmem>>, vector<1x16xf32>,
      %swap3A_424 = vector.shape_cast %swap3A_423 : vector<1x16xf32> to vector<16xf32>
      %swap3A_425 = vector.shape_cast %add3A_420 : vector<16xf32> to vector<1x16xf32>
      tpu.vector_store %arg7[%swap3A_421, %swap3A_422], %swap3A_425 {strides = array<i32>} : memref<25x256xf32, #tpu.memory_space<vmem>>, vector<1x16xf32>,
      %mul3A_426 = arith.constant 4 : i32
      %mul3A_427 = arith.muli %mul3A_426, %scan3A_10 : i32
      %get3A_428 = arith.index_cast %mul3A_427 : i32 to index
      %get3A_429 = arith.constant 176 : index
      %get3A_430 = tpu.vector_load %arg6[%get3A_428, %get3A_429] {strides = array<i32>} : memref<112x256xf32, #tpu.memory_space<vmem>>, vector<1x16xf32>,
      %get3A_431 = vector.shape_cast %get3A_430 : vector<1x16xf32> to vector<16xf32>
      %mul3A_432 = arith.constant 4 : i32
      %mul3A_433 = arith.muli %mul3A_432, %scan3A_10 : i32
      %add3A_434 = arith.constant 1 : i32
      %add3A_435 = arith.addi %mul3A_433, %add3A_434 : i32
      %get3A_436 = arith.index_cast %add3A_435 : i32 to index
      %get3A_437 = arith.constant 176 : index
      %get3A_438 = tpu.vector_load %arg6[%get3A_436, %get3A_437] {strides = array<i32>} : memref<112x256xf32, #tpu.memory_space<vmem>>, vector<1x16xf32>,
      %get3A_439 = vector.shape_cast %get3A_438 : vector<1x16xf32> to vector<16xf32>
      %sub3A_440 = arith.subf %get3A_431, %get3A_439 : vector<16xf32>
      %mul3A_441 = arith.constant 4 : i32
      %mul3A_442 = arith.muli %mul3A_441, %scan3A_10 : i32
      %add3A_443 = arith.constant 2 : i32
      %add3A_444 = arith.addi %mul3A_442, %add3A_443 : i32
      %get3A_445 = arith.index_cast %add3A_444 : i32 to index
      %get3A_446 = arith.constant 176 : index
      %get3A_447 = tpu.vector_load %arg6[%get3A_445, %get3A_446] {strides = array<i32>} : memref<112x256xf32, #tpu.memory_space<vmem>>, vector<1x16xf32>,
      %get3A_448 = vector.shape_cast %get3A_447 : vector<1x16xf32> to vector<16xf32>
      %sub3A_449 = arith.subf %sub3A_440, %get3A_448 : vector<16xf32>
      %mul3A_450 = arith.constant 4 : i32
      %mul3A_451 = arith.muli %mul3A_450, %scan3A_10 : i32
      %add3A_452 = arith.constant 3 : i32
      %add3A_453 = arith.addi %mul3A_451, %add3A_452 : i32
      %get3A_454 = arith.index_cast %add3A_453 : i32 to index
      %get3A_455 = arith.constant 176 : index
      %get3A_456 = tpu.vector_load %arg6[%get3A_454, %get3A_455] {strides = array<i32>} : memref<112x256xf32, #tpu.memory_space<vmem>>, vector<1x16xf32>,
      %get3A_457 = vector.shape_cast %get3A_456 : vector<1x16xf32> to vector<16xf32>
      %add3A_458 = arith.addf %sub3A_449, %get3A_457 : vector<16xf32>
      %swap3A_459 = arith.index_cast %scan3A_10 : i32 to index
      %swap3A_460 = arith.constant 176 : index
      %swap3A_461 = tpu.vector_load %arg7[%swap3A_459, %swap3A_460] {strides = array<i32>} : memref<25x256xf32, #tpu.memory_space<vmem>>, vector<1x16xf32>,
      %swap3A_462 = vector.shape_cast %swap3A_461 : vector<1x16xf32> to vector<16xf32>
      %swap3A_463 = vector.shape_cast %add3A_458 : vector<16xf32> to vector<1x16xf32>
      tpu.vector_store %arg7[%swap3A_459, %swap3A_460], %swap3A_463 {strides = array<i32>} : memref<25x256xf32, #tpu.memory_space<vmem>>, vector<1x16xf32>,
      %mul3A_464 = arith.constant 4 : i32
      %mul3A_465 = arith.muli %mul3A_464, %scan3A_10 : i32
      %get3A_466 = arith.index_cast %mul3A_465 : i32 to index
      %get3A_467 = arith.constant 192 : index
      %get3A_468 = tpu.vector_load %arg6[%get3A_466, %get3A_467] {strides = array<i32>} : memref<112x256xf32, #tpu.memory_space<vmem>>, vector<1x16xf32>,
      %get3A_469 = vector.shape_cast %get3A_468 : vector<1x16xf32> to vector<16xf32>
      %mul3A_470 = arith.constant 4 : i32
      %mul3A_471 = arith.muli %mul3A_470, %scan3A_10 : i32
      %add3A_472 = arith.constant 1 : i32
      %add3A_473 = arith.addi %mul3A_471, %add3A_472 : i32
      %get3A_474 = arith.index_cast %add3A_473 : i32 to index
      %get3A_475 = arith.constant 192 : index
      %get3A_476 = tpu.vector_load %arg6[%get3A_474, %get3A_475] {strides = array<i32>} : memref<112x256xf32, #tpu.memory_space<vmem>>, vector<1x16xf32>,
      %get3A_477 = vector.shape_cast %get3A_476 : vector<1x16xf32> to vector<16xf32>
      %sub3A_478 = arith.subf %get3A_469, %get3A_477 : vector<16xf32>
      %mul3A_479 = arith.constant 4 : i32
      %mul3A_480 = arith.muli %mul3A_479, %scan3A_10 : i32
      %add3A_481 = arith.constant 2 : i32
      %add3A_482 = arith.addi %mul3A_480, %add3A_481 : i32
      %get3A_483 = arith.index_cast %add3A_482 : i32 to index
      %get3A_484 = arith.constant 192 : index
      %get3A_485 = tpu.vector_load %arg6[%get3A_483, %get3A_484] {strides = array<i32>} : memref<112x256xf32, #tpu.memory_space<vmem>>, vector<1x16xf32>,
      %get3A_486 = vector.shape_cast %get3A_485 : vector<1x16xf32> to vector<16xf32>
      %sub3A_487 = arith.subf %sub3A_478, %get3A_486 : vector<16xf32>
      %mul3A_488 = arith.constant 4 : i32
      %mul3A_489 = arith.muli %mul3A_488, %scan3A_10 : i32
      %add3A_490 = arith.constant 3 : i32
      %add3A_491 = arith.addi %mul3A_489, %add3A_490 : i32
      %get3A_492 = arith.index_cast %add3A_491 : i32 to index
      %get3A_493 = arith.constant 192 : index
      %get3A_494 = tpu.vector_load %arg6[%get3A_492, %get3A_493] {strides = array<i32>} : memref<112x256xf32, #tpu.memory_space<vmem>>, vector<1x16xf32>,
      %get3A_495 = vector.shape_cast %get3A_494 : vector<1x16xf32> to vector<16xf32>
      %add3A_496 = arith.addf %sub3A_487, %get3A_495 : vector<16xf32>
      %swap3A_497 = arith.index_cast %scan3A_10 : i32 to index
      %swap3A_498 = arith.constant 192 : index
      %swap3A_499 = tpu.vector_load %arg7[%swap3A_497, %swap3A_498] {strides = array<i32>} : memref<25x256xf32, #tpu.memory_space<vmem>>, vector<1x16xf32>,
      %swap3A_500 = vector.shape_cast %swap3A_499 : vector<1x16xf32> to vector<16xf32>
      %swap3A_501 = vector.shape_cast %add3A_496 : vector<16xf32> to vector<1x16xf32>
      tpu.vector_store %arg7[%swap3A_497, %swap3A_498], %swap3A_501 {strides = array<i32>} : memref<25x256xf32, #tpu.memory_space<vmem>>, vector<1x16xf32>,
      %mul3A_502 = arith.constant 4 : i32
      %mul3A_503 = arith.muli %mul3A_502, %scan3A_10 : i32
      %get3A_504 = arith.index_cast %mul3A_503 : i32 to index
      %get3A_505 = arith.constant 208 : index
      %get3A_506 = tpu.vector_load %arg6[%get3A_504, %get3A_505] {strides = array<i32>} : memref<112x256xf32, #tpu.memory_space<vmem>>, vector<1x16xf32>,
      %get3A_507 = vector.shape_cast %get3A_506 : vector<1x16xf32> to vector<16xf32>
      %mul3A_508 = arith.constant 4 : i32
      %mul3A_509 = arith.muli %mul3A_508, %scan3A_10 : i32
      %add3A_510 = arith.constant 1 : i32
      %add3A_511 = arith.addi %mul3A_509, %add3A_510 : i32
      %get3A_512 = arith.index_cast %add3A_511 : i32 to index
      %get3A_513 = arith.constant 208 : index
      %get3A_514 = tpu.vector_load %arg6[%get3A_512, %get3A_513] {strides = array<i32>} : memref<112x256xf32, #tpu.memory_space<vmem>>, vector<1x16xf32>,
      %get3A_515 = vector.shape_cast %get3A_514 : vector<1x16xf32> to vector<16xf32>
      %sub3A_516 = arith.subf %get3A_507, %get3A_515 : vector<16xf32>
      %mul3A_517 = arith.constant 4 : i32
      %mul3A_518 = arith.muli %mul3A_517, %scan3A_10 : i32
      %add3A_519 = arith.constant 2 : i32
      %add3A_520 = arith.addi %mul3A_518, %add3A_519 : i32
      %get3A_521 = arith.index_cast %add3A_520 : i32 to index
      %get3A_522 = arith.constant 208 : index
      %get3A_523 = tpu.vector_load %arg6[%get3A_521, %get3A_522] {strides = array<i32>} : memref<112x256xf32, #tpu.memory_space<vmem>>, vector<1x16xf32>,
      %get3A_524 = vector.shape_cast %get3A_523 : vector<1x16xf32> to vector<16xf32>
      %sub3A_525 = arith.subf %sub3A_516, %get3A_524 : vector<16xf32>
      %mul3A_526 = arith.constant 4 : i32
      %mul3A_527 = arith.muli %mul3A_526, %scan3A_10 : i32
      %add3A_528 = arith.constant 3 : i32
      %add3A_529 = arith.addi %mul3A_527, %add3A_528 : i32
      %get3A_530 = arith.index_cast %add3A_529 : i32 to index
      %get3A_531 = arith.constant 208 : index
      %get3A_532 = tpu.vector_load %arg6[%get3A_530, %get3A_531] {strides = array<i32>} : memref<112x256xf32, #tpu.memory_space<vmem>>, vector<1x16xf32>,
      %get3A_533 = vector.shape_cast %get3A_532 : vector<1x16xf32> to vector<16xf32>
      %add3A_534 = arith.addf %sub3A_525, %get3A_533 : vector<16xf32>
      %swap3A_535 = arith.index_cast %scan3A_10 : i32 to index
      %swap3A_536 = arith.constant 208 : index
      %swap3A_537 = tpu.vector_load %arg7[%swap3A_535, %swap3A_536] {strides = array<i32>} : memref<25x256xf32, #tpu.memory_space<vmem>>, vector<1x16xf32>,
      %swap3A_538 = vector.shape_cast %swap3A_537 : vector<1x16xf32> to vector<16xf32>
      %swap3A_539 = vector.shape_cast %add3A_534 : vector<16xf32> to vector<1x16xf32>
      tpu.vector_store %arg7[%swap3A_535, %swap3A_536], %swap3A_539 {strides = array<i32>} : memref<25x256xf32, #tpu.memory_space<vmem>>, vector<1x16xf32>,
      %mul3A_540 = arith.constant 4 : i32
      %mul3A_541 = arith.muli %mul3A_540, %scan3A_10 : i32
      %get3A_542 = arith.index_cast %mul3A_541 : i32 to index
      %get3A_543 = arith.constant 224 : index
      %get3A_544 = tpu.vector_load %arg6[%get3A_542, %get3A_543] {strides = array<i32>} : memref<112x256xf32, #tpu.memory_space<vmem>>, vector<1x16xf32>,
      %get3A_545 = vector.shape_cast %get3A_544 : vector<1x16xf32> to vector<16xf32>
      %mul3A_546 = arith.constant 4 : i32
      %mul3A_547 = arith.muli %mul3A_546, %scan3A_10 : i32
      %add3A_548 = arith.constant 1 : i32
      %add3A_549 = arith.addi %mul3A_547, %add3A_548 : i32
      %get3A_550 = arith.index_cast %add3A_549 : i32 to index
      %get3A_551 = arith.constant 224 : index
      %get3A_552 = tpu.vector_load %arg6[%get3A_550, %get3A_551] {strides = array<i32>} : memref<112x256xf32, #tpu.memory_space<vmem>>, vector<1x16xf32>,
      %get3A_553 = vector.shape_cast %get3A_552 : vector<1x16xf32> to vector<16xf32>
      %sub3A_554 = arith.subf %get3A_545, %get3A_553 : vector<16xf32>
      %mul3A_555 = arith.constant 4 : i32
      %mul3A_556 = arith.muli %mul3A_555, %scan3A_10 : i32
      %add3A_557 = arith.constant 2 : i32
      %add3A_558 = arith.addi %mul3A_556, %add3A_557 : i32
      %get3A_559 = arith.index_cast %add3A_558 : i32 to index
      %get3A_560 = arith.constant 224 : index
      %get3A_561 = tpu.vector_load %arg6[%get3A_559, %get3A_560] {strides = array<i32>} : memref<112x256xf32, #tpu.memory_space<vmem>>, vector<1x16xf32>,
      %get3A_562 = vector.shape_cast %get3A_561 : vector<1x16xf32> to vector<16xf32>
      %sub3A_563 = arith.subf %sub3A_554, %get3A_562 : vector<16xf32>
      %mul3A_564 = arith.constant 4 : i32
      %mul3A_565 = arith.muli %mul3A_564, %scan3A_10 : i32
      %add3A_566 = arith.constant 3 : i32
      %add3A_567 = arith.addi %mul3A_565, %add3A_566 : i32
      %get3A_568 = arith.index_cast %add3A_567 : i32 to index
      %get3A_569 = arith.constant 224 : index
      %get3A_570 = tpu.vector_load %arg6[%get3A_568, %get3A_569] {strides = array<i32>} : memref<112x256xf32, #tpu.memory_space<vmem>>, vector<1x16xf32>,
      %get3A_571 = vector.shape_cast %get3A_570 : vector<1x16xf32> to vector<16xf32>
      %add3A_572 = arith.addf %sub3A_563, %get3A_571 : vector<16xf32>
      %swap3A_573 = arith.index_cast %scan3A_10 : i32 to index
      %swap3A_574 = arith.constant 224 : index
      %swap3A_575 = tpu.vector_load %arg7[%swap3A_573, %swap3A_574] {strides = array<i32>} : memref<25x256xf32, #tpu.memory_space<vmem>>, vector<1x16xf32>,
      %swap3A_576 = vector.shape_cast %swap3A_575 : vector<1x16xf32> to vector<16xf32>
      %swap3A_577 = vector.shape_cast %add3A_572 : vector<16xf32> to vector<1x16xf32>
      tpu.vector_store %arg7[%swap3A_573, %swap3A_574], %swap3A_577 {strides = array<i32>} : memref<25x256xf32, #tpu.memory_space<vmem>>, vector<1x16xf32>,
      %mul3A_578 = arith.constant 4 : i32
      %mul3A_579 = arith.muli %mul3A_578, %scan3A_10 : i32
      %get3A_580 = arith.index_cast %mul3A_579 : i32 to index
      %get3A_581 = arith.constant 240 : index
      %get3A_582 = tpu.vector_load %arg6[%get3A_580, %get3A_581] {strides = array<i32>} : memref<112x256xf32, #tpu.memory_space<vmem>>, vector<1x16xf32>,
      %get3A_583 = vector.shape_cast %get3A_582 : vector<1x16xf32> to vector<16xf32>
      %mul3A_584 = arith.constant 4 : i32
      %mul3A_585 = arith.muli %mul3A_584, %scan3A_10 : i32
      %add3A_586 = arith.constant 1 : i32
      %add3A_587 = arith.addi %mul3A_585, %add3A_586 : i32
      %get3A_588 = arith.index_cast %add3A_587 : i32 to index
      %get3A_589 = arith.constant 240 : index
      %get3A_590 = tpu.vector_load %arg6[%get3A_588, %get3A_589] {strides = array<i32>} : memref<112x256xf32, #tpu.memory_space<vmem>>, vector<1x16xf32>,
      %get3A_591 = vector.shape_cast %get3A_590 : vector<1x16xf32> to vector<16xf32>
      %sub3A_592 = arith.subf %get3A_583, %get3A_591 : vector<16xf32>
      %mul3A_593 = arith.constant 4 : i32
      %mul3A_594 = arith.muli %mul3A_593, %scan3A_10 : i32
      %add3A_595 = arith.constant 2 : i32
      %add3A_596 = arith.addi %mul3A_594, %add3A_595 : i32
      %get3A_597 = arith.index_cast %add3A_596 : i32 to index
      %get3A_598 = arith.constant 240 : index
      %get3A_599 = tpu.vector_load %arg6[%get3A_597, %get3A_598] {strides = array<i32>} : memref<112x256xf32, #tpu.memory_space<vmem>>, vector<1x16xf32>,
      %get3A_600 = vector.shape_cast %get3A_599 : vector<1x16xf32> to vector<16xf32>
      %sub3A_601 = arith.subf %sub3A_592, %get3A_600 : vector<16xf32>
      %mul3A_602 = arith.constant 4 : i32
      %mul3A_603 = arith.muli %mul3A_602, %scan3A_10 : i32
      %add3A_604 = arith.constant 3 : i32
      %add3A_605 = arith.addi %mul3A_603, %add3A_604 : i32
      %get3A_606 = arith.index_cast %add3A_605 : i32 to index
      %get3A_607 = arith.constant 240 : index
      %get3A_608 = tpu.vector_load %arg6[%get3A_606, %get3A_607] {strides = array<i32>} : memref<112x256xf32, #tpu.memory_space<vmem>>, vector<1x16xf32>,
      %get3A_609 = vector.shape_cast %get3A_608 : vector<1x16xf32> to vector<16xf32>
      %add3A_610 = arith.addf %sub3A_601, %get3A_609 : vector<16xf32>
      %swap3A_611 = arith.index_cast %scan3A_10 : i32 to index
      %swap3A_612 = arith.constant 240 : index
      %swap3A_613 = tpu.vector_load %arg7[%swap3A_611, %swap3A_612] {strides = array<i32>} : memref<25x256xf32, #tpu.memory_space<vmem>>, vector<1x16xf32>,
      %swap3A_614 = vector.shape_cast %swap3A_613 : vector<1x16xf32> to vector<16xf32>
      %swap3A_615 = vector.shape_cast %add3A_610 : vector<16xf32> to vector<1x16xf32>
      tpu.vector_store %arg7[%swap3A_611, %swap3A_612], %swap3A_615 {strides = array<i32>} : memref<25x256xf32, #tpu.memory_space<vmem>>, vector<1x16xf32>,
    }
    %scan3A_9 = arith.constant 25 : i32
    "tpu.region"() ({
      %run_scoped3A = tpu.sem_alloc : memref<!tpu.dma_semaphore, #tpu.memory_space<semaphore_mem>>
      %dma_start3A_10 = arith.constant 0 : i32
      %dma_start3A_11 = arith.constant 0 : i32
      %dma_start3A_12 = tpu.memref_slice %arg4[%add3A, %dma_start3A_10, %dma_start3A_11] : memref<32x25x256xf32, #tpu.memory_space<hbm>> -> memref<1x25x256xf32, #tpu.memory_space<hbm>>
      %dma_start3A_13 = tpu.memref_squeeze %dma_start3A_12 : memref<1x25x256xf32, #tpu.memory_space<hbm>> -> memref<25x256xf32, #tpu.memory_space<hbm>>
      %dma_start3A_14 = arith.constant 0 : i32
      %dma_start3A_15 = arith.constant 0 : i32
      %dma_start3A_16 = tpu.memref_slice %arg4[%add3A, %dma_start3A_14, %dma_start3A_15] : memref<32x25x256xf32, #tpu.memory_space<hbm>> -> memref<1x25x256xf32, #tpu.memory_space<hbm>>
      %dma_start3A_17 = tpu.memref_squeeze %dma_start3A_16 : memref<1x25x256xf32, #tpu.memory_space<hbm>> -> memref<25x256xf32, #tpu.memory_space<hbm>>
      tpu.enqueue_dma source(%arg7 : memref<25x256xf32, #tpu.memory_space<vmem>>) target(%dma_start3A_17 : memref<25x256xf32, #tpu.memory_space<hbm>>) target_semaphore(%run_scoped3A : memref<!tpu.dma_semaphore, #tpu.memory_space<semaphore_mem>>)
      %dma_wait3A_18 = arith.constant 0 : i32
      %dma_wait3A_19 = arith.constant 0 : i32
      %dma_wait3A_20 = tpu.memref_slice %arg4[%add3A, %dma_wait3A_18, %dma_wait3A_19] : memref<32x25x256xf32, #tpu.memory_space<hbm>> -> memref<1x25x256xf32, #tpu.memory_space<hbm>>
      %dma_wait3A_21 = tpu.memref_squeeze %dma_wait3A_20 : memref<1x25x256xf32, #tpu.memory_space<hbm>> -> memref<25x256xf32, #tpu.memory_space<hbm>>
      %dma_wait3A_22 = arith.constant 0 : i32
      %dma_wait3A_23 = arith.constant 0 : i32
      %dma_wait3A_24 = tpu.memref_slice %arg4[%add3A, %dma_wait3A_22, %dma_wait3A_23] : memref<32x25x256xf32, #tpu.memory_space<hbm>> -> memref<1x25x256xf32, #tpu.memory_space<hbm>>
      %dma_wait3A_25 = tpu.memref_squeeze %dma_wait3A_24 : memref<1x25x256xf32, #tpu.memory_space<hbm>> -> memref<25x256xf32, #tpu.memory_space<hbm>>
      tpu.wait_dma2 semaphore(%run_scoped3A : memref<!tpu.dma_semaphore, #tpu.memory_space<semaphore_mem>>) src(%arg7 : memref<25x256xf32, #tpu.memory_space<vmem>>) dst(%dma_wait3A_25 : memref<25x256xf32, #tpu.memory_space<hbm>>)
      tpu.yield
    }) : () -> ()
    return
  }
}

module attributes {stable_mosaic.version = 14 : i64} {
  func.func @_matmul_kernel(%arg0: i32, %arg1: memref<48x64xf32, #tpu.memory_space<vmem>>, %arg2: memref<1x64x16384xf32, #tpu.memory_space<vmem>>, %arg3: memref<1x48x16384xf32, #tpu.memory_space<vmem>>) attributes {dimension_semantics = [#tpu.dimension_semantics<arbitrary>], iteration_bounds = array<i64: 8>, scalar_prefetch = 0 : i64, scratch_operands = 0 : i64, tpu.core_type = #tpu.core_type<tc>, window_params = [{pipeline_mode = #tpu.pipeline_mode<synchronous>, transform_indices = @transform_0, window_bounds = array<i64: 48, 64>}, {transform_indices = @transform_1, window_bounds = array<i64: 1, 64, 16384>}, {transform_indices = @transform_2, window_bounds = array<i64: 1, 48, 16384>}]} {
    %get3A = arith.constant 0 : index
    %get3A_0 = arith.constant 0 : index
    %get3A_1 = vector.load %arg1[%get3A, %get3A_0] : memref<48x64xf32, #tpu.memory_space<vmem>>, vector<48x64xf32>
    %get3A_2 = arith.constant 0 : index
    %get3A_3 = arith.constant 0 : index
    %get3A_4 = arith.constant 0 : index
    %get3A_5 = vector.load %arg2[%get3A_2, %get3A_3, %get3A_4] : memref<1x64x16384xf32, #tpu.memory_space<vmem>>, vector<1x64x16384xf32>
    %get3A_6 = vector.shape_cast %get3A_5 : vector<1x64x16384xf32> to vector<64x16384xf32>
    %dot_general3A = arith.constant dense<0.000000e+00> : vector<48x16384xf32>
    %dot_general3A_7 = tpu.matmul %get3A_1, %get3A_6, %dot_general3A {dimension_numbers = #tpu.dot_dimension_numbers<[1], [0], [0], [1], [0, 0, 1, 1], [], []>, precision = #tpu.contract_precision<fp32>, transpose_lhs_hint = false} : vector<48x64xf32>, vector<64x16384xf32>, vector<48x16384xf32> -> vector<48x16384xf32>
    %swap3A = arith.constant 0 : index
    %swap3A_8 = arith.constant 0 : index
    %swap3A_9 = arith.constant 0 : index
    %swap3A_10 = vector.load %arg3[%swap3A, %swap3A_8, %swap3A_9] : memref<1x48x16384xf32, #tpu.memory_space<vmem>>, vector<1x48x16384xf32>
    %swap3A_11 = vector.shape_cast %swap3A_10 : vector<1x48x16384xf32> to vector<48x16384xf32>
    %swap3A_12 = vector.shape_cast %dot_general3A_7 : vector<48x16384xf32> to vector<1x48x16384xf32>
    tpu.vector_store %arg3[%swap3A, %swap3A_8, %swap3A_9], %swap3A_12 {strides = array<i32>} : memref<1x48x16384xf32, #tpu.memory_space<vmem>>, vector<1x48x16384xf32>,
    return
  }
  func.func @transform_0(%arg0: i32) -> (i32, i32) {
    %c0_i32 = arith.constant 0 : i32
    %c0_i32_0 = arith.constant 0 : i32
    %c0_i32_1 = arith.constant 0 : i32
    return %c0_i32, %c0_i32_0 : i32, i32
  }
  func.func @transform_1(%arg0: i32) -> (i32, i32, i32) {
    %c0_i32 = arith.constant 0 : i32
    %c0_i32_0 = arith.constant 0 : i32
    %c0_i32_1 = arith.constant 0 : i32
    return %arg0, %c0_i32, %c0_i32_0 : i32, i32, i32
  }
  func.func @transform_2(%arg0: i32) -> (i32, i32, i32) {
    %c0_i32 = arith.constant 0 : i32
    %c0_i32_0 = arith.constant 0 : i32
    %c0_i32_1 = arith.constant 0 : i32
    return %arg0, %c0_i32, %c0_i32_0 : i32, i32, i32
  }
}

module attributes {stable_mosaic.version = 14 : i64} {
  func.func @_matmul_kernel(%arg0: i32, %arg1: memref<48x64xf32, #tpu.memory_space<vmem>>, %arg2: memref<1x64x12288xf32, #tpu.memory_space<vmem>>, %arg3: memref<1x48x12288xf32, #tpu.memory_space<vmem>>) attributes {dimension_semantics = [#tpu.dimension_semantics<arbitrary>], iteration_bounds = array<i64: 8>, scalar_prefetch = 0 : i64, scratch_operands = 0 : i64, tpu.core_type = #tpu.core_type<tc>, window_params = [{pipeline_mode = #tpu.pipeline_mode<synchronous>, transform_indices = @transform_0, window_bounds = array<i64: 48, 64>}, {transform_indices = @transform_1, window_bounds = array<i64: 1, 64, 12288>}, {transform_indices = @transform_2, window_bounds = array<i64: 1, 48, 12288>}]} {
    %get3A = arith.constant 0 : index
    %get3A_0 = arith.constant 0 : index
    %get3A_1 = vector.load %arg1[%get3A, %get3A_0] : memref<48x64xf32, #tpu.memory_space<vmem>>, vector<48x64xf32>
    %get3A_2 = arith.constant 0 : index
    %get3A_3 = arith.constant 0 : index
    %get3A_4 = arith.constant 0 : index
    %get3A_5 = vector.load %arg2[%get3A_2, %get3A_3, %get3A_4] : memref<1x64x12288xf32, #tpu.memory_space<vmem>>, vector<1x64x12288xf32>
    %get3A_6 = vector.shape_cast %get3A_5 : vector<1x64x12288xf32> to vector<64x12288xf32>
    %dot_general3A = arith.constant dense<0.000000e+00> : vector<48x12288xf32>
    %dot_general3A_7 = tpu.matmul %get3A_1, %get3A_6, %dot_general3A {dimension_numbers = #tpu.dot_dimension_numbers<[1], [0], [0], [1], [0, 0, 1, 1], [], []>, precision = #tpu.contract_precision<fp32>, transpose_lhs_hint = false} : vector<48x64xf32>, vector<64x12288xf32>, vector<48x12288xf32> -> vector<48x12288xf32>
    %swap3A = arith.constant 0 : index
    %swap3A_8 = arith.constant 0 : index
    %swap3A_9 = arith.constant 0 : index
    %swap3A_10 = vector.load %arg3[%swap3A, %swap3A_8, %swap3A_9] : memref<1x48x12288xf32, #tpu.memory_space<vmem>>, vector<1x48x12288xf32>
    %swap3A_11 = vector.shape_cast %swap3A_10 : vector<1x48x12288xf32> to vector<48x12288xf32>
    %swap3A_12 = vector.shape_cast %dot_general3A_7 : vector<48x12288xf32> to vector<1x48x12288xf32>
    tpu.vector_store %arg3[%swap3A, %swap3A_8, %swap3A_9], %swap3A_12 {strides = array<i32>} : memref<1x48x12288xf32, #tpu.memory_space<vmem>>, vector<1x48x12288xf32>,
    return
  }
  func.func @transform_0(%arg0: i32) -> (i32, i32) {
    %c0_i32 = arith.constant 0 : i32
    %c0_i32_0 = arith.constant 0 : i32
    %c0_i32_1 = arith.constant 0 : i32
    return %c0_i32, %c0_i32_0 : i32, i32
  }
  func.func @transform_1(%arg0: i32) -> (i32, i32, i32) {
    %c0_i32 = arith.constant 0 : i32
    %c0_i32_0 = arith.constant 0 : i32
    %c0_i32_1 = arith.constant 0 : i32
    return %arg0, %c0_i32, %c0_i32_0 : i32, i32, i32
  }
  func.func @transform_2(%arg0: i32) -> (i32, i32, i32) {
    %c0_i32 = arith.constant 0 : i32
    %c0_i32_0 = arith.constant 0 : i32
    %c0_i32_1 = arith.constant 0 : i32
    return %arg0, %c0_i32, %c0_i32_0 : i32, i32, i32
  }
}

module attributes {stable_mosaic.version = 14 : i64} {
  func.func @_segment_kernel(%arg0: i32, %arg1: memref<1x100x256xf32, #tpu.memory_space<vmem>>, %arg2: memref<1x100x4xf32, #tpu.memory_space<vmem>>, %arg3: memref<1x1x100xi32, #tpu.memory_space<vmem>>, %arg4: memref<1x599x256xf32, #tpu.memory_space<vmem>>) attributes {dimension_semantics = [#tpu.dimension_semantics<arbitrary>], iteration_bounds = array<i64: 8>, scalar_prefetch = 0 : i64, scratch_operands = 0 : i64, tpu.core_type = #tpu.core_type<tc>, window_params = [{transform_indices = @transform_0, window_bounds = array<i64: 1, 100, 256>}, {transform_indices = @transform_1, window_bounds = array<i64: 1, 100, 4>}, {transform_indices = @transform_2, window_bounds = array<i64: 1, 1, 100>}, {transform_indices = @transform_3, window_bounds = array<i64: 1, 599, 256>}]} {
    %get3A = arith.constant 0 : index
    %get3A_0 = arith.constant 0 : index
    %get3A_1 = arith.constant 0 : index
    %get3A_2 = vector.load %arg2[%get3A, %get3A_0, %get3A_1] : memref<1x100x4xf32, #tpu.memory_space<vmem>>, vector<1x100x4xf32>
    %get3A_3 = vector.shape_cast %get3A_2 : vector<1x100x4xf32> to vector<100x4xf32>
    %mul3A = arith.constant 3.906250e-02 : f32
    %mul3A_4 = vector.broadcast %mul3A : f32 to vector<100x4xf32>
    %mul3A_5 = arith.mulf %get3A_3, %mul3A_4 : vector<100x4xf32>
    %round3A = math.roundeven %mul3A_5 : vector<100x4xf32>
    %slice3A = vector.extract_strided_slice %round3A {offsets = [0, 0], sizes = [100, 1], strides = [1, 1]} : vector<100x4xf32> to vector<100x1xf32>
    %max3A = arith.constant 0.000000e+00 : f32
    %max3A_6 = vector.broadcast %max3A : f32 to vector<100x1xf32>
    %max3A_7 = arith.maximumf %slice3A, %max3A_6 : vector<100x1xf32>
    %slice3A_8 = vector.extract_strided_slice %round3A {offsets = [0, 1], sizes = [100, 1], strides = [1, 1]} : vector<100x4xf32> to vector<100x1xf32>
    %max3A_9 = arith.constant 0.000000e+00 : f32
    %max3A_10 = vector.broadcast %max3A_9 : f32 to vector<100x1xf32>
    %max3A_11 = arith.maximumf %slice3A_8, %max3A_10 : vector<100x1xf32>
    %slice3A_12 = vector.extract_strided_slice %round3A {offsets = [0, 2], sizes = [100, 1], strides = [1, 1]} : vector<100x4xf32> to vector<100x1xf32>
    %min3A = arith.constant 4.000000e+01 : f32
    %min3A_13 = vector.broadcast %min3A : f32 to vector<100x1xf32>
    %min3A_14 = arith.minimumf %slice3A_12, %min3A_13 : vector<100x1xf32>
    %slice3A_15 = vector.extract_strided_slice %round3A {offsets = [0, 3], sizes = [100, 1], strides = [1, 1]} : vector<100x4xf32> to vector<100x1xf32>
    %min3A_16 = arith.constant 4.000000e+01 : f32
    %min3A_17 = vector.broadcast %min3A_16 : f32 to vector<100x1xf32>
    %min3A_18 = arith.minimumf %slice3A_15, %min3A_17 : vector<100x1xf32>
    %lt3A = arith.cmpf olt, %max3A_7, %min3A_14 : vector<100x1xf32>
    %lt3A_19 = arith.cmpf olt, %max3A_11, %min3A_18 : vector<100x1xf32>
    %and3A = arith.andi %lt3A, %lt3A_19 : vector<100x1xi1>
    %sub3A = arith.subf %min3A_14, %max3A_7 : vector<100x1xf32>
    %sub3A_20 = arith.subf %min3A_18, %max3A_11 : vector<100x1xf32>
    %mul3A_21 = arith.mulf %sub3A, %sub3A_20 : vector<100x1xf32>
    %max3A_22 = arith.constant 1.000000e+00 : f32
    %max3A_23 = vector.broadcast %max3A_22 : f32 to vector<100x1xf32>
    %max3A_24 = arith.maximumf %mul3A_21, %max3A_23 : vector<100x1xf32>
    %div3A = arith.constant 1.000000e+00 : f32
    %div3A_25 = vector.broadcast %div3A : f32 to vector<100x1xf32>
    %div3A_26 = arith.divf %div3A_25, %max3A_24 : vector<100x1xf32>
    %jit3A = arith.constant 0.000000e+00 : f32
    %broadcast_in_dim3A = vector.broadcast %jit3A : f32 to vector<100x1xf32>
    %select_n3A = arith.select %and3A, %div3A_26, %broadcast_in_dim3A : vector<100x1xi1>, vector<100x1xf32>
    %get3A_27 = arith.constant 0 : index
    %get3A_28 = arith.constant 0 : index
    %get3A_29 = arith.constant 0 : index
    %get3A_30 = vector.load %arg1[%get3A_27, %get3A_28, %get3A_29] : memref<1x100x256xf32, #tpu.memory_space<vmem>>, vector<1x100x256xf32>
    %get3A_31 = vector.shape_cast %get3A_30 : vector<1x100x256xf32> to vector<100x256xf32>
    %mul3A_32 = vector.broadcast %select_n3A : vector<100x1xf32> to vector<100x256xf32>
    %mul3A_33 = arith.mulf %get3A_31, %mul3A_32 : vector<100x256xf32>
    %convert_element_type3A = arith.extui %and3A : vector<100x1xi1> to vector<100x1xi32>
    %convert_element_type3A_34 = arith.sitofp %convert_element_type3A : vector<100x1xi32> to vector<100x1xf32>
    %get3A_35 = arith.constant 0 : index
    %get3A_36 = arith.constant 0 : index
    %get3A_37 = arith.constant 0 : index
    %get3A_38 = vector.load %arg3[%get3A_35, %get3A_36, %get3A_37] : memref<1x1x100xi32, #tpu.memory_space<vmem>>, vector<1x1x100xi32>
    %get3A_39 = vector.shape_cast %get3A_38 : vector<1x1x100xi32> to vector<1x100xi32>
    %iota3A = tpu.iota {dimensions = array<i32: 0>} : vector<599x100xi32>
    %eq3A = vector.broadcast %get3A_39 : vector<1x100xi32> to vector<599x100xi32>
    %eq3A_40 = arith.cmpi eq, %iota3A, %eq3A : vector<599x100xi32>
    %convert_element_type3A_41 = arith.extui %eq3A_40 : vector<599x100xi1> to vector<599x100xi32>
    %convert_element_type3A_42 = arith.sitofp %convert_element_type3A_41 : vector<599x100xi32> to vector<599x100xf32>
    %dot_general3A = arith.constant dense<0.000000e+00> : vector<599x256xf32>
    %dot_general3A_43 = tpu.matmul %convert_element_type3A_42, %mul3A_33, %dot_general3A {dimension_numbers = #tpu.dot_dimension_numbers<[1], [0], [0], [1], [0, 0, 1, 1], [], []>, precision = #tpu.contract_precision<fp32>, transpose_lhs_hint = false} : vector<599x100xf32>, vector<100x256xf32>, vector<599x256xf32> -> vector<599x256xf32>
    %dot_general3A_44 = arith.constant dense<0.000000e+00> : vector<599x1xf32>
    %dot_general3A_45 = tpu.matmul %convert_element_type3A_42, %convert_element_type3A_34, %dot_general3A_44 {dimension_numbers = #tpu.dot_dimension_numbers<[1], [0], [0], [1], [0, 0, 1, 1], [], []>, precision = #tpu.contract_precision<fp32>, transpose_lhs_hint = false} : vector<599x100xf32>, vector<100x1xf32>, vector<599x1xf32> -> vector<599x1xf32>
    %max3A_46 = arith.constant 1.000000e+00 : f32
    %max3A_47 = vector.broadcast %max3A_46 : f32 to vector<599x1xf32>
    %max3A_48 = arith.maximumf %dot_general3A_45, %max3A_47 : vector<599x1xf32>
    %div3A_49 = arith.constant 1.000000e+00 : f32
    %div3A_50 = vector.broadcast %div3A_49 : f32 to vector<599x1xf32>
    %div3A_51 = arith.divf %div3A_50, %max3A_48 : vector<599x1xf32>
    %mul3A_52 = vector.broadcast %div3A_51 : vector<599x1xf32> to vector<599x256xf32>
    %mul3A_53 = arith.mulf %dot_general3A_43, %mul3A_52 : vector<599x256xf32>
    %swap3A = arith.constant 0 : index
    %swap3A_54 = arith.constant 0 : index
    %swap3A_55 = arith.constant 0 : index
    %swap3A_56 = vector.load %arg4[%swap3A, %swap3A_54, %swap3A_55] : memref<1x599x256xf32, #tpu.memory_space<vmem>>, vector<1x599x256xf32>
    %swap3A_57 = vector.shape_cast %swap3A_56 : vector<1x599x256xf32> to vector<599x256xf32>
    %swap3A_58 = vector.shape_cast %mul3A_53 : vector<599x256xf32> to vector<1x599x256xf32>
    tpu.vector_store %arg4[%swap3A, %swap3A_54, %swap3A_55], %swap3A_58 {strides = array<i32>} : memref<1x599x256xf32, #tpu.memory_space<vmem>>, vector<1x599x256xf32>,
    return
  }
  func.func @transform_0(%arg0: i32) -> (i32, i32, i32) {
    %c0_i32 = arith.constant 0 : i32
    %c0_i32_0 = arith.constant 0 : i32
    %c0_i32_1 = arith.constant 0 : i32
    return %arg0, %c0_i32, %c0_i32_0 : i32, i32, i32
  }
  func.func @transform_1(%arg0: i32) -> (i32, i32, i32) {
    %c0_i32 = arith.constant 0 : i32
    %c0_i32_0 = arith.constant 0 : i32
    %c0_i32_1 = arith.constant 0 : i32
    return %arg0, %c0_i32, %c0_i32_0 : i32, i32, i32
  }
  func.func @transform_2(%arg0: i32) -> (i32, i32, i32) {
    %c0_i32 = arith.constant 0 : i32
    %c0_i32_0 = arith.constant 0 : i32
    %c0_i32_1 = arith.constant 0 : i32
    return %arg0, %c0_i32, %c0_i32_0 : i32, i32, i32
  }
  func.func @transform_3(%arg0: i32) -> (i32, i32, i32) {
    %c0_i32 = arith.constant 0 : i32
    %c0_i32_0 = arith.constant 0 : i32
    %c0_i32_1 = arith.constant 0 : i32
    return %arg0, %c0_i32, %c0_i32_0 : i32, i32, i32
  }
}

</mosaic_0001>

<sc_bundles>
// kernel: kernel.6.cloned.1.call-start
scs
__scs_entry_jumppad:
0x0: {  	(pc) =	sbr.rel $0x88, $3  }
0x1: {  	(tag) =	ssettag $0x0;
	lr =	simm.s32 $0x1  }
0x2: {  	[smem:$0x3F9E] =	sst lr;
	_ =	strace $0xD0000000  }
0x3: {  	_ = 	snop  }
0x4: {  	_ = 	snop  }
0x5: {  	_ = 	snop  }
0x6: {  	_ = 	snop  }
0x7: {  	_ = 	snop  }
__scs_overlays_trampoline_lowered:
0x8: {  	[smem:$0x3FAD] =	sst s0  }
0x9: {  	[smem:$0x3FAE] =	sst s1  }
0xa: {  	[smem:$0x3FAF] =	sst s2  }
0xb: {  	[smem:$0x3FB0] =	sst s3  }
0xc: {  	[smem:$0x3FB1] =	sst s4  }
0xd: {  	[smem:$0x3FB2] =	sst s5  }
0xe: {  	[smem:$0x3FB3] =	sst s6  }
0xf: {  	[smem:$0x3FB4] =	sst s7  }
0x10: {  	[smem:$0x3FB5] =	sst s8  }
0x11: {  	[smem:$0x3FB6] =	sst s9;
	s0 =	simm.s32 @!p0 $0x0  }
0x12: {  	s1 =	sld [smem:$0x3F9C];
	s0 =	simm.s32 @p0 $0x1  }
0x13: {  	[smem:$0x3FB7] =	sst s0;
	s0 =	simm.s32 @!p1 $0x0  }
0x14: {  	s2 =	sld [smem:$0x3F9B];
	s0 =	simm.s32 @p1 $0x1  }
0x15: {  	[smem:$0x3FB8] =	sst s0;
	s0 =	simm.s32 @!p2 $0x0  }
0x16: {  	s3 =	sld [smem:$0x3FDB];
	s0 =	simm.s32 @p2 $0x1  }
0x17: {  	s4 =	simm.s32 $0x1BF5;
	[smem:$0x3FBA] =	sst s0  }
0x18: {  	s0 =	sld [smem:$0x3F9D];
	_ =	swait.ge [sflag:s4], $0x0  }
0x19: {  	s7 =	sld [smem:$0x3F9E]  }
0x1a: {  	s8 =	sadd.s32 $0xFFFFE003, lr  }
0x1b: {  	s9 =	sadd.s32 $0xFFFFFEF7, lr;
	s5 =	simm.s32 $0xFFFFFFFF;
	p2 =	slt.u32 s8, $0xFFFFF086  }
0x1c: {  	p1 =	slt.u32 s9, $0xF7A;
	s5 =	simm.s32 @!p2 $0x0  }
0x1d: {  	s5 =	simm.s32 @p1 $0x1;
	p0 =	seq.s32 s7, s2  }
0x1e: {  	s7 =	smul.u32 @!p0 $0xF7A, s2;
	p2 =	seq.s32 @!p0 s5, $0x0  }
0x1f: {  	s9 =	smul.u32 $0xF7A, s1;
	s8 =	simm.s32 @!p0 $0x1BF5;
	p2 =	por !p2, p0  }
0x20: {  	[sflag:s8] =	ssyncset.s32 @!p0 $0xFFFFF086;
	s6 =	sadd.s32 @!p0 s3, s7;
	s7 =	simm.s32 @!p0 $0x108  }
0x21: {  	s3 =	sadd.s32 s3, s9;
	s6 =	sadd.s32 @!p0 $0x88, s6;
	s7 =	simm.s32 @p2 $0x1082  }
0x22: {  	[simem:s7], [sflag:s8] =	dma.local @!p0 [hbm:s6], $0xF7A  }
0x23: {  	s9 =	sor.u32 $0xD0000000, s2;
	s6 =	simm.s32 $0x108;
	_ =	swait.ge @!p0 [sflag:s8], $0x0  }
0x24: {  	s3 =	sadd.s32 $0x88, s3;
	s6 =	simm.s32 @!p1 $0x1082;
	[sflag:s4] =	ssyncset.s32 $0xFFFFF086  }
0x25: {  	[simem:s6], [sflag:s4] =	dma.local [hbm:s3], $0xF7A  }
0x26: {  	[smem:$0x3F9E] =	sst s1;
	(tag) =	ssettag s2;
	_ =	strace s9  }
0x27: {  	s1 =	sld [smem:$0x3FAE]  }
0x28: {  	s2 =	sld [smem:$0x3FAF]  }
0x29: {  	s4 =	sld [smem:$0x3FB1]  }
0x2a: {  	p0 =	seq.s32 s5, $0x0;
	s5 =	sld [smem:$0x3FB2]  }
0x2b: {  	s6 =	sld [smem:$0x3FB3]  }
0x2c: {  	s7 =	sld [smem:$0x3FB4]  }
0x2d: {  	s3 =	simm.s32 $0x108;
	s8 =	sld [smem:$0x3FB5]  }
0x2e: {  	s3 =	simm.s32 @!p0 $0x1082;
	s9 =	sld [smem:$0x3FB6]  }
0x2f: {  	lr =	sadd.s32 s0, s3;
	s0 =	sld [smem:$0x3FAD]  }
0x30: {  	s3 =	sld [smem:$0x3FB0]  }
0x31: {  	[smem:$0x3FB9] =	sst s10  }
0x32: {  	s10 =	sld [smem:$0x3FB7];
	_ =	sdelay $0x3  }
0x33: {  	p0 =	seq.s32 s10, $0x1;
	s10 =	sld [smem:$0x3FB9];
	_ =	sdelay $0x3  }
0x34: {  	[smem:$0x3FB9] =	sst s10  }
0x35: {  	s10 =	sld [smem:$0x3FB8];
	_ =	sdelay $0x3  }
0x36: {  	p1 =	seq.s32 s10, $0x1;
	s10 =	sld [smem:$0x3FB9];
	_ =	sdelay $0x3  }
0x37: {  	[smem:$0x3FB9] =	sst s10  }
0x38: {  	s10 =	sld [smem:$0x3FBA]  }
0x39: {  	_ = 	snop;
	(pc) =	sbr.ind lr, $3  }
0x3a: {  	_ = 	snop  }
0x3b: {  	_ = 	snop  }
0x3c: {  	p2 =	seq.s32 s10, $0x1;
	s10 =	sld [smem:$0x3FB9]  }
0x3d: {  	_ =	shalt  }
0x3e: {  	_ =	shalt  }
0x3f: {  	_ =	shalt  }
0x40: {  	_ =	shalt  }
0x41: {  	_ =	shalt  }
0x42: {  	_ =	shalt  }
0x43: {  	_ =	shalt  }
0x44: {  	_ =	shalt  }
0x45: {  	_ =	shalt  }
0x46: {  	_ =	shalt  }
0x47: {  	_ =	shalt  }
0x48: {  	_ =	shalt  }
0x49: {  	_ =	shalt  }
0x4a: {  	_ =	shalt  }
0x4b: {  	_ =	shalt  }
0x4c: {  	_ =	shalt  }
0x4d: {  	_ =	shalt  }
0x4e: {  	_ =	shalt  }
0x4f: {  	_ =	shalt  }
0x50: {  	_ =	shalt  }
0x51: {  	_ =	shalt  }
0x52: {  	_ =	shalt  }
0x53: {  	_ =	shalt  }
0x54: {  	_ =	shalt  }
0x55: {  	_ =	shalt  }
0x56: {  	_ =	shalt  }
0x57: {  	_ =	shalt  }
0x58: {  	_ =	shalt  }
0x59: {  	_ =	shalt  }
0x5a: {  	_ =	shalt  }
0x5b: {  	_ =	shalt  }
0x5c: {  	_ =	shalt  }
0x5d: {  	_ =	shalt  }
0x5e: {  	_ =	shalt  }
0x5f: {  	_ =	shalt  }
0x60: {  	_ =	shalt  }
0x61: {  	_ =	shalt  }
0x62: {  	_ =	shalt  }
0x63: {  	_ =	shalt  }
0x64: {  	_ =	shalt  }
0x65: {  	_ =	shalt  }
0x66: {  	_ =	shalt  }
0x67: {  	_ =	shalt  }
0x68: {  	_ =	shalt  }
0x69: {  	_ =	shalt  }
0x6a: {  	_ =	shalt  }
0x6b: {  	_ =	shalt  }
0x6c: {  	_ =	shalt  }
0x6d: {  	_ =	shalt  }
0x6e: {  	_ =	shalt  }
0x6f: {  	_ =	shalt  }
0x70: {  	_ =	shalt  }
0x71: {  	_ =	shalt  }
0x72: {  	_ =	shalt  }
0x73: {  	_ =	shalt  }
0x74: {  	_ =	shalt  }
0x75: {  	_ =	shalt  }
0x76: {  	_ =	shalt  }
0x77: {  	_ =	shalt  }
0x78: {  	_ =	shalt  }
0x79: {  	_ =	shalt  }
0x7a: {  	_ =	shalt  }
0x7b: {  	_ =	shalt  }
0x7c: {  	_ =	shalt  }
0x7d: {  	_ =	shalt  }
0x7e: {  	_ =	shalt  }
0x7f: {  	_ =	shalt  }
0x80: {  	_ =	shalt  }
0x81: {  	_ =	shalt  }
0x82: {  	_ =	shalt  }
0x83: {  	_ =	shalt  }
0x84: {  	_ =	shalt  }
0x85: {  	_ =	shalt  }
0x86: {  	_ =	shalt  }
0x87: {  	_ =	shalt  }
.Lfunc_end0:
.L_simem_size_0:
called_computation_lowered:
.L_overlay_start_0:
0x88: {  	s2 =	sld [smem:$0x3FD9]  }
0x89: {  	s3 =	sld [smem:$0x3FFE];
	_ =	sdelay $0x1  }
0x8a: {  	s1 =	srdreg.scid  }
0x8b: {  	s0 =	sand.u32 $0x1, s1  }
0x8c: {  	s17 =	sshll.u32 s0, $0xA;
	s2 =	sadd.s32 s3, s2  }
0x8d: {  	s2 =	sadd.s32 s2, s17  }
0x8e: {  	[smem:$0x3FC5] =	sst s2  }
0x8f: {  	_ = 	snop  }
0x90: {  	s2 =	sld [smem:$0x3FD0];
	(tm) =	ssettm $0x1  }
0x91: {  	s18 =	sld [smem:$0x3FFB];
	_ =	sdelay $0x3  }
0x92: {  	_ =	strace s18  }
0x93: {  	s3 =	sld [smem:$0x3FFC];
	_ =	sdelay $0x3  }
0x94: {  	_ =	strace s3  }
0x95: {  	s3 =	sld [smem:$0x3FFD];
	_ =	sdelay $0x3  }
0x96: {  	_ =	strace s3  }
0x97: {  	_ =	strace $0x8FFFFFFF  }
0x98: {  	s19 =	sld [smem:$0x3FDB];
	_ =	sdelay $0x1  }
0x99: {  	s4 =	simm.s32 $_scs_section_size  }
0x9a: {  	s5 =	simm.s32 $_size__tile_overlayer_lowered;
	s6 =	simm.s32 $_tile_overlayer_lowered  }
0x9b: {  	s22 =	simm.s32 $0x1BFF;
	s21 =	sshll.u32 s6, $0x1;
	s3 =	sadd.s32 s4, s19  }
0x9c: {  	s7 =	simm.s32 $0x0;
	s20 =	sshll.u32 s5, $0x1;
	s5 =	sadd.s32 s21, s3  }
0x9d: {  	[timem:s7], [sflag:s22] =	dma.local [hbm:s5], s20  }
0x9e: {  	_ =	swait.ge [sflag:s22], s20  }
0x9f: {  	s4 =	ssub.s32 $0x0, s20;
	[sflag:s22] =	ssyncset.done $0x0  }
0xa0: {  	[sflag:s22] =	ssyncadd.s32 s4;
	_ =	sdelay $0x1  }
0xa1: {  	s23 =	simm.s32 $0x1B8B  }
0xa2: {  	_ =	swait.ge [sflag:s23], $0x1  }
0xa3: {  	[sflag:s23] =	ssyncset.done $0x0  }
0xa4: {  	s25 =	simm.s32 $0x1B8E;
	s24 =	sld [smem:$0x3FFE];
	[sflag:s23] =	ssyncadd.s32 $0xFFFFFFFF  }
0xa5: {  	s26 =	simm.s32 $execute0_lowered;
	[smem:$0x3FD2] =	sst s25  }
0xa6: {  	s5 =	sshll.u32 s26, $0x1;
	_ =	strace $0x80000046;
	[dreg:$0x1] =	wrdreg $0xFFFFFFFF  }
0xa7: {  	s28 =	simm.s32 $_size_execute0_lowered;
	s3 =	sadd.s32 s3, s5;
	[dreg:$0x0] =	wrdreg $0x0  }
0xa8: {  	s5 =	sshll.u32 s28, $0x1;
	[dreg:$0x2] =	wrdreg s3  }
0xa9: {  	[dreg:$0x3] =	wrdreg s5  }
0xaa: {  	[dreg:$0x4] =	wrdreg $0xC0  }
0xab: {  	_ =	task [dreg:s7], $0x5FFFF  }
0xac: {  	[dreg:$0x1] =	wrdreg $0xFFFFFFFF  }
0xad: {  	[dreg:$0x0] =	wrdreg $0x60  }
0xae: {  	[dreg:$0x2] =	wrdreg s24  }
0xaf: {  	[dreg:$0x3] =	wrdreg s2  }
0xb0: {  	[dreg:$0x4] =	wrdreg $0x9  }
0xb1: {  	_ =	task.clear_ibuf [dreg:s7], $0x5FFFF;
	_ =	strace $0x90000046  }
0xb2: {  	s29 =	simm.s32 $0x9;
	_ =	strace $0x80000048  }
0xb3: {  	_ =	swait.ge [sflag:s29], $0x1  }
0xb4: {  	[sflag:s29] =	ssyncadd.s32 $0xFFFFFFFF  }
0xb5: {  	_ =	strace $0x90000048  }
0xb6: {  	_ =	sfence  }
0xb7: {  	s30 =	sld [smem:$0x0];
	_ =	sdelay $0x2  }
0xb8: {  	s31 =	sshll.u32 s1, $0xD;
	s1 =	sshrl.u32 s1, $0x2  }
0xb9: {  	s3 =	sand.u32 $0x4000, s31;
	s1 =	sadd.s32 s1, s30  }
0xba: {  	s0 =	sor.u32 s3, s0;
	s1 =	sshll.u32 s1, $0x11  }
0xbb: {  	s0 =	sor.u32 s1, s0  }
0xbc: {  	s0 =	sadd.s32 $0x8F2B, s0  }
0xbd: {  	[sflag:s0] =	ssyncadd.remote.s32 $0x1  }
0xbe: {  	_ =	sfence.sel $0xFFFF  }
0xbf: {  	[dreg:$0x0] =	wrdreg $0xFFFFFFFF;
	(pc) =	sbr.abs _section_cstart, $3  }
0xc0: {  	[dreg:$0x1] =	wrdreg $0xFFFFFFFF  }
0xc1: {  	_ =	task.clear_ibuf [dreg:s7], $0x2FFFF;
	_ =	strace $0x9FFFFFFF  }
0xc2: {  	(tm) =	ssettm $0x7FFFFFFF  }
0xc3: {  	_ =	shalt  }
tec
execute0_lowered:
.L_overlay_start_1:
0x0: {  	(tag) =	ssettag $0x1  }
0x1: {  	s0 =	rddreg [dreg:$0x0]  }
0x2: {  	s1 =	rddreg [dreg:$0x1]  }
0x3: {  	s2 =	simm.s32 $0x0;
	s3 =	srdreg.scid;
	s4 =	stileid.u32  }
0x4: {  	s11 =	simm.s32 $0x1880;
	s12 =	simm.s32 $0x2080;
	s13 =	simm.s32 $0x2880  }
0x5: {  	s14 =	simm.s32 $0x3080;
	s15 =	simm.s32 $0x3880;
	s16 =	simm.s32 $0x4080  }
0x6: {  	s17 =	simm.s32 $0x4880;
	s18 =	simm.s32 $0x5080;
	s19 =	simm.s32 $0x5880  }
0x7: {  	s20 =	simm.s32 $0x6080;
	s21 =	simm.s32 $0x6880;
	s22 =	simm.s32 $0x1  }
0x8: {  	s23 =	simm.s32 $0x7080;
	s24 =	simm.s32 $0x0;
	[smem:$0x7FF] =	sst s2  }
0x9: {  	s3 =	sand.u32 $0x1, s3;
	s4 =	sshll.u32 s4, $0x1;
	_ =	strace $0x80000047  }
0xa: {  	s4 =	sor.u32 s3, s4;
	s5 =	ssub.s32 $0x2, s3;
	s3 =	sadd.s32 $0xC00, s0  }
0xb: {  	v2 =	vlaneseq.u32;
	s6 =	sshll.u32 s4, $0x4;
	s7 =	sshrl.u32 s5, $0x1;
	s31 =	sshll.u32 s4, $0xA  }
0xc: {  	vm0 =	vmmov $0xffff;
	v1 =	vshrl.u32 v2, $0x3;
	s0 =	sadd.s32 s6, s0;
	s30 =	ssub.s32 s5, s7;
	s5 =	sadd.s32 s1, s31  }
0xd: {  	v0 =	vand.u32 $0x7, v2;
	v2 =	vor.u32 $0x8, v2;
	v1 =	vmul.u32 $0x8, v1;
	s7 =	simm.s32 $0x2;
	s4 =	sadd.s32 $0x90C00, s0;
	s6 =	smax.u32 s30, $0x1  }
.LBB2_1:
0xe: {  	[tilespmem:s2], [sflag:$0x2] =	stream.linear.gather [hbm4b:s4+s2], $0x80, $0x38;
	[tilespmem:$0x9080] =	vst v63  }
0xf: {  	_ =	swait.ge [sflag:s7], $0x80  }
0x10: {  	[sflag:s7] =	ssyncset.done $0x0  }
0x11: {  	[sflag:s7] =	ssyncadd.s32 $0xFFFFFF80  }
0x12: {  	v3 =	vld [tilespmem:$0x0];
	_ =	sdelay $0x4  }
0x13: {  	v4 =	vshll.u32 v3, $0x1  }
0x14: {  	v3 =	vand.u32 $0x7, v3;
	v4 =	vand.u32 $0xFFFFFFF0, v4  }
0x15: {  	v3 =	vor.u32 v3, v4  }
0x16: {  	v4 =	vperm.xlane v3, v0;
	_ =	sdelay $0x1  }
0x17: {  	v3 =	vperm.xlane v3, v2;
	v4 =	vadd.s32 v1, v4;
	_ =	sdelay $0x1  }
0x18: {  	v3 =	vadd.s32 v1, v3;
	_ =	sdelay $0x1  }
0x19: {  	s0 =	simm.s32 $0x80  }
0x1a: {  	[tilespmem:s0], [sflag:$0x1] =	stream.indirect_vreg.gather [hbm4b:s3+s2], $0x80, v4, vm0, $0xb8;
	[tilespmem:$0x9080] =	vst v63  }
0x1b: {  	s26 =	simm.s32 $0x880  }
0x1c: {  	[tilespmem:s26], [sflag:$0x1] =	stream.indirect_vreg.gather [hbm4b:s3+s2], $0x80, v3, vm0, $0xb8;
	[tilespmem:$0x9080] =	vst v63  }
0x1d: {  	v3 =	vld [tilespmem:$0x10];
	_ =	sdelay $0x4  }
0x1e: {  	v4 =	vshll.u32 v3, $0x1  }
0x1f: {  	v3 =	vand.u32 $0x7, v3;
	v4 =	vand.u32 $0xFFFFFFF0, v4  }
0x20: {  	v3 =	vor.u32 v3, v4  }
0x21: {  	v4 =	vperm.xlane v3, v0;
	_ =	sdelay $0x1  }
0x22: {  	v3 =	vperm.xlane v3, v2;
	v4 =	vadd.s32 v1, v4;
	_ =	sdelay $0x1  }
0x23: {  	v3 =	vadd.s32 v1, v3;
	_ =	sdelay $0x1  }
0x24: {  	s1 =	simm.s32 $0x1080  }
0x25: {  	[tilespmem:s1], [sflag:$0x1] =	stream.indirect_vreg.gather [hbm4b:s3+s2], $0x80, v4, vm0, $0xb8;
	[tilespmem:$0x9080] =	vst v63  }
0x26: {  	_ = 	snop  }
0x27: {  	[tilespmem:s11], [sflag:$0x1] =	stream.indirect_vreg.gather [hbm4b:s3+s2], $0x80, v3, vm0, $0xb8;
	[tilespmem:$0x9080] =	vst v63  }
0x28: {  	v3 =	vld [tilespmem:$0x20];
	_ =	sdelay $0x4  }
0x29: {  	v4 =	vshll.u32 v3, $0x1  }
0x2a: {  	v3 =	vand.u32 $0x7, v3;
	v4 =	vand.u32 $0xFFFFFFF0, v4  }
0x2b: {  	v3 =	vor.u32 v3, v4  }
0x2c: {  	v4 =	vperm.xlane v3, v0;
	_ =	sdelay $0x1  }
0x2d: {  	v3 =	vperm.xlane v3, v2;
	v4 =	vadd.s32 v1, v4;
	_ =	sdelay $0x1  }
0x2e: {  	v3 =	vadd.s32 v1, v3;
	_ =	sdelay $0x2  }
0x2f: {  	[tilespmem:s12], [sflag:$0x1] =	stream.indirect_vreg.gather [hbm4b:s3+s2], $0x80, v4, vm0, $0xb8;
	[tilespmem:$0x9080] =	vst v63  }
0x30: {  	_ = 	snop  }
0x31: {  	[tilespmem:s13], [sflag:$0x1] =	stream.indirect_vreg.gather [hbm4b:s3+s2], $0x80, v3, vm0, $0xb8;
	[tilespmem:$0x9080] =	vst v63  }
0x32: {  	v3 =	vld [tilespmem:$0x30];
	_ =	sdelay $0x4  }
0x33: {  	v4 =	vshll.u32 v3, $0x1  }
0x34: {  	v3 =	vand.u32 $0x7, v3;
	v4 =	vand.u32 $0xFFFFFFF0, v4  }
0x35: {  	v3 =	vor.u32 v3, v4  }
0x36: {  	v4 =	vperm.xlane v3, v0;
	_ =	sdelay $0x1  }
0x37: {  	v3 =	vperm.xlane v3, v2;
	v4 =	vadd.s32 v1, v4;
	_ =	sdelay $0x1  }
0x38: {  	v3 =	vadd.s32 v1, v3;
	_ =	sdelay $0x2  }
0x39: {  	[tilespmem:s14], [sflag:$0x1] =	stream.indirect_vreg.gather [hbm4b:s3+s2], $0x80, v4, vm0, $0xb8;
	[tilespmem:$0x9080] =	vst v63  }
0x3a: {  	_ = 	snop  }
0x3b: {  	[tilespmem:s15], [sflag:$0x1] =	stream.indirect_vreg.gather [hbm4b:s3+s2], $0x80, v3, vm0, $0xb8;
	[tilespmem:$0x9080] =	vst v63  }
0x3c: {  	v3 =	vld [tilespmem:$0x40];
	_ =	sdelay $0x4  }
0x3d: {  	v4 =	vshll.u32 v3, $0x1  }
0x3e: {  	v3 =	vand.u32 $0x7, v3;
	v4 =	vand.u32 $0xFFFFFFF0, v4  }
0x3f: {  	v3 =	vor.u32 v3, v4  }
0x40: {  	v4 =	vperm.xlane v3, v0;
	_ =	sdelay $0x1  }
0x41: {  	v3 =	vperm.xlane v3, v2;
	v4 =	vadd.s32 v1, v4;
	_ =	sdelay $0x1  }
0x42: {  	v3 =	vadd.s32 v1, v3;
	_ =	sdelay $0x2  }
0x43: {  	[tilespmem:s16], [sflag:$0x1] =	stream.indirect_vreg.gather [hbm4b:s3+s2], $0x80, v4, vm0, $0xb8;
	[tilespmem:$0x9080] =	vst v63  }
0x44: {  	_ = 	snop  }
0x45: {  	[tilespmem:s17], [sflag:$0x1] =	stream.indirect_vreg.gather [hbm4b:s3+s2], $0x80, v3, vm0, $0xb8;
	[tilespmem:$0x9080] =	vst v63  }
0x46: {  	v3 =	vld [tilespmem:$0x50];
	_ =	sdelay $0x4  }
0x47: {  	v4 =	vshll.u32 v3, $0x1  }
0x48: {  	v3 =	vand.u32 $0x7, v3;
	v4 =	vand.u32 $0xFFFFFFF0, v4  }
0x49: {  	v3 =	vor.u32 v3, v4  }
0x4a: {  	v4 =	vperm.xlane v3, v0;
	_ =	sdelay $0x1  }
0x4b: {  	v3 =	vperm.xlane v3, v2;
	v4 =	vadd.s32 v1, v4;
	_ =	sdelay $0x1  }
0x4c: {  	v3 =	vadd.s32 v1, v3;
	_ =	sdelay $0x2  }
0x4d: {  	[tilespmem:s18], [sflag:$0x1] =	stream.indirect_vreg.gather [hbm4b:s3+s2], $0x80, v4, vm0, $0xb8;
	[tilespmem:$0x9080] =	vst v63  }
0x4e: {  	_ = 	snop  }
0x4f: {  	[tilespmem:s19], [sflag:$0x1] =	stream.indirect_vreg.gather [hbm4b:s3+s2], $0x80, v3, vm0, $0xb8;
	[tilespmem:$0x9080] =	vst v63  }
0x50: {  	v3 =	vld [tilespmem:$0x60];
	_ =	sdelay $0x4  }
0x51: {  	v4 =	vshll.u32 v3, $0x1  }
0x52: {  	v3 =	vand.u32 $0x7, v3;
	v4 =	vand.u32 $0xFFFFFFF0, v4  }
0x53: {  	v3 =	vor.u32 v3, v4  }
0x54: {  	v4 =	vperm.xlane v3, v0;
	_ =	sdelay $0x1  }
0x55: {  	v3 =	vperm.xlane v3, v2;
	v4 =	vadd.s32 v1, v4;
	_ =	sdelay $0x1  }
0x56: {  	v3 =	vadd.s32 v1, v3;
	_ =	sdelay $0x2  }
0x57: {  	[tilespmem:s20], [sflag:$0x1] =	stream.indirect_vreg.gather [hbm4b:s3+s2], $0x80, v4, vm0, $0xb8;
	[tilespmem:$0x9080] =	vst v63  }
0x58: {  	_ = 	snop  }
0x59: {  	[tilespmem:s21], [sflag:$0x1] =	stream.indirect_vreg.gather [hbm4b:s3+s2], $0x80, v3, vm0, $0xb8;
	[tilespmem:$0x9080] =	vst v63  }
0x5a: {  	_ =	swait.ge [sflag:s22], $0x7000  }
0x5b: {  	s8 =	sand.u32 $0x7800, s2;
	s1 =	sand.u32 $0x200, s2;
	[sflag:s22] =	ssyncset.done $0x0  }
0x5c: {  	s0 =	sor.u32 s1, s8;
	[sflag:s22] =	ssyncadd.s32 $0xFFFF9000  }
0x5d: {  	v3 =	vld [tilespmem:s0+$0x80]  }
0x5e: {  	v4 =	vld [tilespmem:s0+$0x100];
	_ =	sdelay $0x1  }
0x5f: {  	v5 =	vld [tilespmem:s0+$0x180];
	_ =	sdelay $0x1  }
0x60: {  	v6 =	vld [tilespmem:s0+$0x200]  }
0x61: {  	v3 =	vsub.f32 v3, v4;
	_ =	sdelay $0x1  }
0x62: {  	v3 =	vsub.f32 v3, v5;
	_ =	sdelay $0x1  }
0x63: {  	s9 =	sand.u32 $0x1800, s2;
	s8 =	sand.u32 $0x380, s2;
	v3 =	vadd.f32 v6, v3  }
0x64: {  	s25 =	sor.u32 s8, s9  }
0x65: {  	[tilespmem:s25+$0x7080] =	vst v3  }
0x66: {  	v3 =	vld [tilespmem:s0+$0x90]  }
0x67: {  	v4 =	vld [tilespmem:s0+$0x110];
	_ =	sdelay $0x1  }
0x68: {  	v5 =	vld [tilespmem:s0+$0x190];
	_ =	sdelay $0x1  }
0x69: {  	v6 =	vld [tilespmem:s0+$0x210]  }
0x6a: {  	v3 =	vsub.f32 v3, v4;
	_ =	sdelay $0x1  }
0x6b: {  	v3 =	vsub.f32 v3, v5;
	_ =	sdelay $0x1  }
0x6c: {  	v3 =	vadd.f32 v6, v3;
	_ =	sdelay $0x1  }
0x6d: {  	[tilespmem:s25+$0x7090] =	vst v3  }
0x6e: {  	v3 =	vld [tilespmem:s0+$0xA0]  }
0x6f: {  	v4 =	vld [tilespmem:s0+$0x120];
	_ =	sdelay $0x1  }
0x70: {  	v5 =	vld [tilespmem:s0+$0x1A0];
	_ =	sdelay $0x1  }
0x71: {  	v6 =	vld [tilespmem:s0+$0x220]  }
0x72: {  	v3 =	vsub.f32 v3, v4;
	_ =	sdelay $0x1  }
0x73: {  	v3 =	vsub.f32 v3, v5;
	_ =	sdelay $0x1  }
0x74: {  	v3 =	vadd.f32 v6, v3;
	_ =	sdelay $0x1  }
0x75: {  	[tilespmem:s25+$0x70A0] =	vst v3  }
0x76: {  	v3 =	vld [tilespmem:s0+$0xB0]  }
0x77: {  	v4 =	vld [tilespmem:s0+$0x130];
	_ =	sdelay $0x1  }
0x78: {  	v5 =	vld [tilespmem:s0+$0x1B0];
	_ =	sdelay $0x1  }
0x79: {  	v6 =	vld [tilespmem:s0+$0x230]  }
0x7a: {  	v3 =	vsub.f32 v3, v4;
	_ =	sdelay $0x1  }
0x7b: {  	v3 =	vsub.f32 v3, v5;
	_ =	sdelay $0x1  }
0x7c: {  	v3 =	vadd.f32 v6, v3;
	_ =	sdelay $0x1  }
0x7d: {  	[tilespmem:s25+$0x70B0] =	vst v3  }
0x7e: {  	v3 =	vld [tilespmem:s0+$0xC0]  }
0x7f: {  	v4 =	vld [tilespmem:s0+$0x140];
	_ =	sdelay $0x1  }
0x80: {  	v5 =	vld [tilespmem:s0+$0x1C0];
	_ =	sdelay $0x1  }
0x81: {  	v6 =	vld [tilespmem:s0+$0x240]  }
0x82: {  	v3 =	vsub.f32 v3, v4;
	_ =	sdelay $0x1  }
0x83: {  	v3 =	vsub.f32 v3, v5;
	_ =	sdelay $0x1  }
0x84: {  	v3 =	vadd.f32 v6, v3;
	_ =	sdelay $0x1  }
0x85: {  	[tilespmem:s25+$0x70C0] =	vst v3  }
0x86: {  	v3 =	vld [tilespmem:s0+$0xD0]  }
0x87: {  	v4 =	vld [tilespmem:s0+$0x150];
	_ =	sdelay $0x1  }
0x88: {  	v5 =	vld [tilespmem:s0+$0x1D0];
	_ =	sdelay $0x1  }
0x89: {  	v6 =	vld [tilespmem:s0+$0x250]  }
0x8a: {  	v3 =	vsub.f32 v3, v4;
	_ =	sdelay $0x1  }
0x8b: {  	v3 =	vsub.f32 v3, v5;
	_ =	sdelay $0x1  }
0x8c: {  	v3 =	vadd.f32 v6, v3;
	_ =	sdelay $0x1  }
0x8d: {  	[tilespmem:s25+$0x70D0] =	vst v3  }
0x8e: {  	v3 =	vld [tilespmem:s0+$0xE0]  }
0x8f: {  	v4 =	vld [tilespmem:s0+$0x160];
	_ =	sdelay $0x1  }
0x90: {  	v5 =	vld [tilespmem:s0+$0x1E0];
	_ =	sdelay $0x1  }
0x91: {  	v6 =	vld [tilespmem:s0+$0x260]  }
0x92: {  	v3 =	vsub.f32 v3, v4;
	_ =	sdelay $0x1  }
0x93: {  	v3 =	vsub.f32 v3, v5;
	_ =	sdelay $0x1  }
0x94: {  	v3 =	vadd.f32 v6, v3;
	_ =	sdelay $0x1  }
0x95: {  	[tilespmem:s25+$0x70E0] =	vst v3  }
0x96: {  	v3 =	vld [tilespmem:s0+$0xF0]  }
0x97: {  	v4 =	vld [tilespmem:s0+$0x170];
	_ =	sdelay $0x1  }
0x98: {  	v5 =	vld [tilespmem:s0+$0x1F0];
	_ =	sdelay $0x1  }
0x99: {  	v6 =	vld [tilespmem:s0+$0x270]  }
0x9a: {  	v3 =	vsub.f32 v3, v4;
	_ =	sdelay $0x1  }
0x9b: {  	p0 =	por $0x0, $0x0;
	s0 =	simm.s32 $0x1;
	v3 =	vsub.f32 v3, v5  }
0x9c: {  	s0 =	simm.s32 @!p0 $0x0  }
0x9d: {  	s0 =	sshll.u32 s0, $0x9;
	v3 =	vadd.f32 v6, v3  }
0x9e: {  	s31 =	sadd.s32 $0x0, s0  }
0x9f: {  	s0 =	sor.u32 $0x400, s31;
	s1 =	sadd.s32 $0x80, s31;
	[tilespmem:s25+$0x70F0] =	vst v3  }
0xa0: {  	s10 =	sor.u32 $0x400, s1;
	v3 =	vld [tilespmem:s0+$0x80]  }
0xa1: {  	s0 =	sadd.s32 $0x100, s31;
	v4 =	vld [tilespmem:s10+$0x80]  }
0xa2: {  	s9 =	sor.u32 $0x400, s0  }
0xa3: {  	s8 =	sadd.s32 $0x180, s31;
	v5 =	vld [tilespmem:s9+$0x80]  }
0xa4: {  	s26 =	sor.u32 $0x400, s8  }
0xa5: {  	v6 =	vld [tilespmem:s26+$0x80]  }
0xa6: {  	v3 =	vsub.f32 v3, v4;
	_ =	sdelay $0x1  }
0xa7: {  	v3 =	vsub.f32 v3, v5;
	_ =	sdelay $0x1  }
0xa8: {  	v3 =	vadd.f32 v6, v3;
	_ =	sdelay $0x1  }
0xa9: {  	s10 =	sor.u32 $0x410, s31;
	[tilespmem:s25+$0x7480] =	vst v3  }
0xaa: {  	s26 =	sor.u32 $0x410, s1;
	v3 =	vld [tilespmem:s10+$0x80]  }
0xab: {  	v4 =	vld [tilespmem:s26+$0x80]  }
0xac: {  	s10 =	sor.u32 $0x410, s0  }
0xad: {  	v5 =	vld [tilespmem:s10+$0x80]  }
0xae: {  	s26 =	sor.u32 $0x410, s8  }
0xaf: {  	v6 =	vld [tilespmem:s26+$0x80]  }
0xb0: {  	v3 =	vsub.f32 v3, v4;
	_ =	sdelay $0x1  }
0xb1: {  	v3 =	vsub.f32 v3, v5;
	_ =	sdelay $0x1  }
0xb2: {  	v3 =	vadd.f32 v6, v3;
	_ =	sdelay $0x1  }
0xb3: {  	s10 =	sor.u32 $0x420, s31;
	[tilespmem:s25+$0x7490] =	vst v3  }
0xb4: {  	s26 =	sor.u32 $0x420, s1;
	v3 =	vld [tilespmem:s10+$0x80]  }
0xb5: {  	v4 =	vld [tilespmem:s26+$0x80]  }
0xb6: {  	s10 =	sor.u32 $0x420, s0  }
0xb7: {  	v5 =	vld [tilespmem:s10+$0x80]  }
0xb8: {  	s26 =	sor.u32 $0x420, s8  }
0xb9: {  	v6 =	vld [tilespmem:s26+$0x80]  }
0xba: {  	v3 =	vsub.f32 v3, v4;
	_ =	sdelay $0x1  }
0xbb: {  	v3 =	vsub.f32 v3, v5;
	_ =	sdelay $0x1  }
0xbc: {  	v3 =	vadd.f32 v6, v3;
	_ =	sdelay $0x1  }
0xbd: {  	s10 =	sor.u32 $0x430, s31;
	[tilespmem:s25+$0x74A0] =	vst v3  }
0xbe: {  	s26 =	sor.u32 $0x430, s1;
	v3 =	vld [tilespmem:s10+$0x80]  }
0xbf: {  	v4 =	vld [tilespmem:s26+$0x80]  }
0xc0: {  	s10 =	sor.u32 $0x430, s0  }
0xc1: {  	v5 =	vld [tilespmem:s10+$0x80]  }
0xc2: {  	s26 =	sor.u32 $0x430, s8  }
0xc3: {  	v6 =	vld [tilespmem:s26+$0x80]  }
0xc4: {  	v3 =	vsub.f32 v3, v4;
	_ =	sdelay $0x1  }
0xc5: {  	v3 =	vsub.f32 v3, v5;
	_ =	sdelay $0x1  }
0xc6: {  	v3 =	vadd.f32 v6, v3;
	_ =	sdelay $0x1  }
0xc7: {  	s10 =	sor.u32 $0x440, s31;
	[tilespmem:s25+$0x74B0] =	vst v3  }
0xc8: {  	s26 =	sor.u32 $0x440, s1;
	v3 =	vld [tilespmem:s10+$0x80]  }
0xc9: {  	v4 =	vld [tilespmem:s26+$0x80]  }
0xca: {  	s10 =	sor.u32 $0x440, s0  }
0xcb: {  	v5 =	vld [tilespmem:s10+$0x80]  }
0xcc: {  	s26 =	sor.u32 $0x440, s8  }
0xcd: {  	v6 =	vld [tilespmem:s26+$0x80]  }
0xce: {  	v3 =	vsub.f32 v3, v4;
	_ =	sdelay $0x1  }
0xcf: {  	v3 =	vsub.f32 v3, v5;
	_ =	sdelay $0x1  }
0xd0: {  	v3 =	vadd.f32 v6, v3;
	_ =	sdelay $0x1  }
0xd1: {  	s10 =	sor.u32 $0x450, s1;
	[tilespmem:s25+$0x74C0] =	vst v3  }
0xd2: {  	s26 =	sor.u32 $0x450, s31;
	v3 =	vld [tilespmem:s10+$0x80]  }
0xd3: {  	v4 =	vld [tilespmem:s26+$0x80]  }
0xd4: {  	s26 =	sor.u32 $0x450, s0  }
0xd5: {  	v5 =	vld [tilespmem:s26+$0x80]  }
0xd6: {  	s10 =	sor.u32 $0x450, s8  }
0xd7: {  	v6 =	vld [tilespmem:s10+$0x80]  }
0xd8: {  	v3 =	vsub.f32 v4, v3;
	_ =	sdelay $0x1  }
0xd9: {  	v3 =	vsub.f32 v3, v5;
	_ =	sdelay $0x1  }
0xda: {  	v3 =	vadd.f32 v6, v3;
	_ =	sdelay $0x1  }
0xdb: {  	s26 =	sor.u32 $0x460, s31;
	[tilespmem:s25+$0x74D0] =	vst v3  }
0xdc: {  	s10 =	sor.u32 $0x460, s1;
	v3 =	vld [tilespmem:s26+$0x80]  }
0xdd: {  	s29 =	simm.s32 $0x0;
	s30 =	simm.s32 $0x0;
	s28 =	sor.u32 $0x460, s0;
	v4 =	vld [tilespmem:s10+$0x80]  }
0xde: {  	s9 =	sor.u32 $0x460, s8;
	s26 =	simm.s32 $0x400;
	v5 =	vld [tilespmem:s28+$0x80];
	s28 =	simm.s32 $0x200  }
.LBB2_2:
0xdf: {  	v6 =	vld [tilespmem:s9+$0x80];
	s29 =	sadd.s32 $0x80, s29;
	s30 =	sadd.s32 $0x100, s30;
	p0 =	por !p0, !p0  }
0xe0: {  	p1 =	sne.s32 s26, $0x6000;
	s9 =	smov.u32 s26;
	s26 =	sadd.s32 $0x400, s26  }
0xe1: {  	_ = 	snop  }
0xe2: {  	v3 =	vsub.f32 v3, v4;
	_ =	sdelay $0x1  }
0xe3: {  	v3 =	vsub.f32 v3, v5;
	_ =	sdelay $0x1  }
0xe4: {  	v3 =	vadd.f32 v6, v3;
	_ =	sdelay $0x1  }
0xe5: {  	s31 =	sor.u32 $0x470, s31;
	[tilespmem:s25+$0x74E0] =	vst v3  }
0xe6: {  	s1 =	sor.u32 $0x470, s1;
	v3 =	vld [tilespmem:s31+$0x80]  }
0xe7: {  	s0 =	sor.u32 $0x470, s0;
	v4 =	vld [tilespmem:s1+$0x80]  }
0xe8: {  	v5 =	vld [tilespmem:s0+$0x80];
	s0 =	sor.u32 $0x470, s8  }
0xe9: {  	v6 =	vld [tilespmem:s0+$0x80];
	_ =	sdelay $0x1  }
0xea: {  	s1 =	sand.u32 $0x200, s28;
	s0 =	sand.u32 $0x7800, s9  }
0xeb: {  	s0 =	sor.u32 s1, s0;
	v3 =	vsub.f32 v3, v4;
	_ =	sdelay $0x1  }
0xec: {  	v3 =	vsub.f32 v3, v5;
	_ =	sdelay $0x1  }
0xed: {  	v3 =	vadd.f32 v6, v3;
	_ =	sdelay $0x1  }
0xee: {  	[tilespmem:s25+$0x74F0] =	vst v3  }
0xef: {  	v3 =	vld [tilespmem:s0+$0x80]  }
0xf0: {  	v4 =	vld [tilespmem:s0+$0x100];
	_ =	sdelay $0x1  }
0xf1: {  	v5 =	vld [tilespmem:s0+$0x180]  }
0xf2: {  	v6 =	vld [tilespmem:s0+$0x200];
	_ =	sdelay $0x1  }
0xf3: {  	v3 =	vsub.f32 v3, v4;
	_ =	sdelay $0x1  }
0xf4: {  	v3 =	vsub.f32 v3, v5;
	_ =	sdelay $0x1  }
0xf5: {  	s8 =	sand.u32 $0x380, s29;
	s1 =	sand.u32 $0x1800, s30;
	v3 =	vadd.f32 v6, v3  }
0xf6: {  	s25 =	sor.u32 s8, s1  }
0xf7: {  	[tilespmem:s25+$0x7080] =	vst v3  }
0xf8: {  	v3 =	vld [tilespmem:s0+$0x90]  }
0xf9: {  	v4 =	vld [tilespmem:s0+$0x110];
	_ =	sdelay $0x1  }
0xfa: {  	v5 =	vld [tilespmem:s0+$0x190];
	_ =	sdelay $0x1  }
0xfb: {  	v6 =	vld [tilespmem:s0+$0x210]  }
0xfc: {  	v3 =	vsub.f32 v3, v4;
	_ =	sdelay $0x1  }
0xfd: {  	v3 =	vsub.f32 v3, v5;
	_ =	sdelay $0x1  }
0xfe: {  	v3 =	vadd.f32 v6, v3;
	_ =	sdelay $0x1  }
0xff: {  	[tilespmem:s25+$0x7090] =	vst v3  }
0x100: {  	v3 =	vld [tilespmem:s0+$0xA0]  }
0x101: {  	v4 =	vld [tilespmem:s0+$0x120];
	_ =	sdelay $0x1  }
0x102: {  	v5 =	vld [tilespmem:s0+$0x1A0];
	_ =	sdelay $0x1  }
0x103: {  	v6 =	vld [tilespmem:s0+$0x220]  }
0x104: {  	v3 =	vsub.f32 v3, v4;
	_ =	sdelay $0x1  }
0x105: {  	v3 =	vsub.f32 v3, v5;
	_ =	sdelay $0x1  }
0x106: {  	v3 =	vadd.f32 v6, v3;
	_ =	sdelay $0x1  }
0x107: {  	[tilespmem:s25+$0x70A0] =	vst v3  }
0x108: {  	v3 =	vld [tilespmem:s0+$0xB0]  }
0x109: {  	v4 =	vld [tilespmem:s0+$0x130];
	_ =	sdelay $0x1  }
0x10a: {  	v5 =	vld [tilespmem:s0+$0x1B0];
	_ =	sdelay $0x1  }
0x10b: {  	v6 =	vld [tilespmem:s0+$0x230]  }
0x10c: {  	v3 =	vsub.f32 v3, v4;
	_ =	sdelay $0x1  }
0x10d: {  	v3 =	vsub.f32 v3, v5;
	_ =	sdelay $0x1  }
0x10e: {  	v3 =	vadd.f32 v6, v3;
	_ =	sdelay $0x1  }
0x10f: {  	[tilespmem:s25+$0x70B0] =	vst v3  }
0x110: {  	v3 =	vld [tilespmem:s0+$0xC0]  }
0x111: {  	v4 =	vld [tilespmem:s0+$0x140];
	_ =	sdelay $0x1  }
0x112: {  	v5 =	vld [tilespmem:s0+$0x1C0];
	_ =	sdelay $0x1  }
0x113: {  	v6 =	vld [tilespmem:s0+$0x240]  }
0x114: {  	v3 =	vsub.f32 v3, v4;
	_ =	sdelay $0x1  }
0x115: {  	v3 =	vsub.f32 v3, v5;
	_ =	sdelay $0x1  }
0x116: {  	v3 =	vadd.f32 v6, v3;
	_ =	sdelay $0x1  }
0x117: {  	[tilespmem:s25+$0x70C0] =	vst v3  }
0x118: {  	v3 =	vld [tilespmem:s0+$0xD0]  }
0x119: {  	v4 =	vld [tilespmem:s0+$0x150]  }
0x11a: {  	v5 =	vld [tilespmem:s0+$0x1D0];
	_ =	sdelay $0x2  }
0x11b: {  	v6 =	vld [tilespmem:s0+$0x250]  }
0x11c: {  	v3 =	vsub.f32 v3, v4;
	_ =	sdelay $0x1  }
0x11d: {  	v3 =	vsub.f32 v3, v5;
	_ =	sdelay $0x1  }
0x11e: {  	v3 =	vadd.f32 v6, v3;
	_ =	sdelay $0x1  }
0x11f: {  	[tilespmem:s25+$0x70D0] =	vst v3  }
0x120: {  	v3 =	vld [tilespmem:s0+$0xE0]  }
0x121: {  	v4 =	vld [tilespmem:s0+$0x160]  }
0x122: {  	v5 =	vld [tilespmem:s0+$0x1E0];
	_ =	sdelay $0x2  }
0x123: {  	v6 =	vld [tilespmem:s0+$0x260]  }
0x124: {  	v3 =	vsub.f32 v3, v4;
	_ =	sdelay $0x1  }
0x125: {  	v3 =	vsub.f32 v3, v5;
	_ =	sdelay $0x1  }
0x126: {  	v3 =	vadd.f32 v6, v3;
	_ =	sdelay $0x1  }
0x127: {  	[tilespmem:s25+$0x70E0] =	vst v3  }
0x128: {  	v3 =	vld [tilespmem:s0+$0xF0]  }
0x129: {  	v4 =	vld [tilespmem:s0+$0x170]  }
0x12a: {  	v5 =	vld [tilespmem:s0+$0x270]  }
0x12b: {  	v6 =	vld [tilespmem:s0+$0x1F0];
	_ =	sdelay $0x2  }
0x12c: {  	v3 =	vsub.f32 v3, v4;
	_ =	sdelay $0x1  }
0x12d: {  	s0 =	simm.s32 $0x1;
	v3 =	vsub.f32 v3, v6  }
0x12e: {  	s0 =	simm.s32 @!p0 $0x0  }
0x12f: {  	s0 =	sshll.u32 s0, $0x9;
	v3 =	vadd.f32 v5, v3  }
0x130: {  	s31 =	sadd.s32 s0, s9  }
0x131: {  	s8 =	sor.u32 $0x400, s31;
	s1 =	sadd.s32 $0x80, s31;
	s0 =	sadd.s32 $0x100, s31;
	[tilespmem:s25+$0x70F0] =	vst v3  }
0x132: {  	s9 =	sor.u32 $0x400, s1;
	v3 =	vld [tilespmem:s8+$0x80];
	s8 =	sadd.s32 $0x180, s31  }
0x133: {  	v4 =	vld [tilespmem:s9+$0x80];
	s9 =	sor.u32 $0x400, s0  }
0x134: {  	v5 =	vld [tilespmem:s9+$0x80];
	_ =	sdelay $0x1  }
0x135: {  	s9 =	sor.u32 $0x400, s8  }
0x136: {  	v6 =	vld [tilespmem:s9+$0x80]  }
0x137: {  	v3 =	vsub.f32 v3, v4;
	_ =	sdelay $0x1  }
0x138: {  	v3 =	vsub.f32 v3, v5;
	_ =	sdelay $0x1  }
0x139: {  	v3 =	vadd.f32 v6, v3;
	_ =	sdelay $0x1  }
0x13a: {  	s9 =	sor.u32 $0x410, s31;
	[tilespmem:s25+$0x7480] =	vst v3  }
0x13b: {  	v3 =	vld [tilespmem:s9+$0x80];
	s9 =	sor.u32 $0x410, s1  }
0x13c: {  	v4 =	vld [tilespmem:s9+$0x80];
	s9 =	sor.u32 $0x410, s0  }
0x13d: {  	v5 =	vld [tilespmem:s9+$0x80];
	s9 =	sor.u32 $0x410, s8  }
0x13e: {  	v6 =	vld [tilespmem:s9+$0x80];
	_ =	sdelay $0x2  }
0x13f: {  	v3 =	vsub.f32 v3, v4;
	_ =	sdelay $0x1  }
0x140: {  	v3 =	vsub.f32 v3, v5;
	_ =	sdelay $0x1  }
0x141: {  	v3 =	vadd.f32 v6, v3;
	_ =	sdelay $0x1  }
0x142: {  	s9 =	sor.u32 $0x420, s31;
	[tilespmem:s25+$0x7490] =	vst v3  }
0x143: {  	v3 =	vld [tilespmem:s9+$0x80];
	s9 =	sor.u32 $0x420, s1  }
0x144: {  	v4 =	vld [tilespmem:s9+$0x80];
	s9 =	sor.u32 $0x420, s8  }
0x145: {  	s10 =	sor.u32 $0x420, s0;
	v5 =	vld [tilespmem:s9+$0x80]  }
0x146: {  	v6 =	vld [tilespmem:s10+$0x80];
	_ =	sdelay $0x2  }
0x147: {  	v3 =	vsub.f32 v3, v4;
	_ =	sdelay $0x1  }
0x148: {  	v3 =	vsub.f32 v3, v6;
	_ =	sdelay $0x1  }
0x149: {  	v3 =	vadd.f32 v5, v3;
	_ =	sdelay $0x1  }
0x14a: {  	s9 =	sor.u32 $0x430, s31;
	[tilespmem:s25+$0x74A0] =	vst v3  }
0x14b: {  	v3 =	vld [tilespmem:s9+$0x80];
	s9 =	sor.u32 $0x430, s1  }
0x14c: {  	v4 =	vld [tilespmem:s9+$0x80];
	s9 =	sor.u32 $0x430, s0  }
0x14d: {  	v5 =	vld [tilespmem:s9+$0x80];
	s9 =	sor.u32 $0x430, s8  }
0x14e: {  	v6 =	vld [tilespmem:s9+$0x80];
	_ =	sdelay $0x2  }
0x14f: {  	v3 =	vsub.f32 v3, v4;
	_ =	sdelay $0x1  }
0x150: {  	v3 =	vsub.f32 v3, v5;
	_ =	sdelay $0x1  }
0x151: {  	v3 =	vadd.f32 v6, v3;
	_ =	sdelay $0x1  }
0x152: {  	s9 =	sor.u32 $0x440, s31;
	[tilespmem:s25+$0x74B0] =	vst v3  }
0x153: {  	v3 =	vld [tilespmem:s9+$0x80];
	s9 =	sor.u32 $0x440, s1  }
0x154: {  	v4 =	vld [tilespmem:s9+$0x80];
	s9 =	sor.u32 $0x440, s0  }
0x155: {  	v5 =	vld [tilespmem:s9+$0x80];
	s9 =	sor.u32 $0x440, s8  }
0x156: {  	v6 =	vld [tilespmem:s9+$0x80];
	_ =	sdelay $0x2  }
0x157: {  	v3 =	vsub.f32 v3, v4;
	_ =	sdelay $0x1  }
0x158: {  	v3 =	vsub.f32 v3, v5;
	_ =	sdelay $0x1  }
0x159: {  	v3 =	vadd.f32 v6, v3;
	_ =	sdelay $0x1  }
0x15a: {  	s9 =	sor.u32 $0x450, s1;
	[tilespmem:s25+$0x74C0] =	vst v3  }
0x15b: {  	s10 =	sor.u32 $0x450, s31;
	v3 =	vld [tilespmem:s9+$0x80]  }
0x15c: {  	s9 =	sor.u32 $0x450, s0;
	v4 =	vld [tilespmem:s10+$0x80]  }
0x15d: {  	v5 =	vld [tilespmem:s9+$0x80];
	s9 =	sor.u32 $0x450, s8  }
0x15e: {  	v6 =	vld [tilespmem:s9+$0x80];
	_ =	sdelay $0x2  }
0x15f: {  	v3 =	vsub.f32 v4, v3;
	_ =	sdelay $0x1  }
0x160: {  	v3 =	vsub.f32 v3, v5;
	_ =	sdelay $0x1  }
0x161: {  	v3 =	vadd.f32 v6, v3  }
.Ltmp0:
0x162: {  	(pc) =	sbr.rel @p1 .LBB2_2-.Ltmp0, $4  }
0x163: {  	s9 =	sor.u32 $0x460, s31;
	[tilespmem:s25+$0x74D0] =	vst v3  }
0x164: {  	v3 =	vld [tilespmem:s9+$0x80];
	s9 =	sor.u32 $0x460, s1  }
0x165: {  	v4 =	vld [tilespmem:s9+$0x80];
	s9 =	sor.u32 $0x460, s0  }
0x166: {  	s28 =	sadd.s32 $0x200, s28;
	v5 =	vld [tilespmem:s9+$0x80];
	s9 =	sor.u32 $0x460, s8  }
0x167: {  	_ =	sdelay $0x1  }
0x168: {  	v6 =	vld [tilespmem:s9+$0x80]  }
0x169: {  	v3 =	vsub.f32 v3, v4;
	_ =	sdelay $0x1  }
0x16a: {  	v3 =	vsub.f32 v3, v5;
	_ =	sdelay $0x1  }
0x16b: {  	v3 =	vadd.f32 v6, v3;
	_ =	sdelay $0x1  }
0x16c: {  	s30 =	sor.u32 $0x470, s31;
	[tilespmem:s25+$0x74E0] =	vst v3  }
0x16d: {  	s1 =	sor.u32 $0x470, s1;
	v3 =	vld [tilespmem:s30+$0x80]  }
0x16e: {  	v61 =	vld [tilespmem:s1+$0x80]  }
0x16f: {  	s0 =	sor.u32 $0x470, s0  }
0x170: {  	v62 =	vld [tilespmem:s0+$0x80]  }
0x171: {  	s31 =	sor.u32 $0x470, s8  }
0x172: {  	v63 =	vld [tilespmem:s31+$0x80]  }
0x173: {  	v3 =	vsub.f32 v3, v61;
	_ =	sdelay $0x1  }
0x174: {  	v3 =	vsub.f32 v3, v62;
	_ =	sdelay $0x1  }
0x175: {  	s24 =	sadd.s32 $0x1, s24;
	v3 =	vadd.f32 v63, v3  }
0x176: {  	p0 =	sne.s32 s24, s6  }
.Ltmp1:
0x177: {  	[tilespmem:s25+$0x74F0] =	vst v3;
	(pc) =	sbr.rel @p0 .LBB2_1-.Ltmp1, $4  }
0x178: {  	[hbm4b:s5+s2] =	stream.linear.scatter [tilespmem:s23], [sflag:$0x2], $0x2000, $0x38;
	[tilespmem:$0x9080] =	vst v63  }
0x179: {  	_ =	swait.ge [sflag:s7], $0x2000  }
0x17a: {  	[sflag:s7] =	ssyncset.done $0x0  }
0x17b: {  	[sflag:s7] =	ssyncadd.s32 $0xFFFFE000  }
0x17c: {  	_ =	sfence.sel $0x180000  }
0x17d: {  	[bflag:$0x0] =	sbarrier.arrive $0xFFFF  }
0x17e: {  	_ =	strace $0x90000047  }
0x17f: {  	s0 =	stileid.u32;
	[bflag:$0x2] =	sbarrier.arrive $0xFFFF  }
0x180: {  	p0 =	sne.s32 s0, $0x0;
	s0 =	rddreg [dreg:$0x2]  }
0x181: {  	s0 =	sadd.s32 @!p0 $0x100000, s0  }
0x182: {  	[sflag:s0] =	ssyncadd.tile.s32 @!p0 $0x1;
	_ =	shalt  }
.Lfunc_end2:
_tile_overlayer_lowered:
.L_overlay_start_2:
0x183: {  	(tag) =	ssettag $0x2  }
0x184: {  	s0 =	rddreg [dreg:$0x0];
	s2 =	stileid.u32  }
0x185: {  	s1 =	rddreg [dreg:$0x1];
	p0 =	sne.s32 s2, $0x0  }
0x186: {  	s3 =	rddreg [dreg:$0x2];
	[bflag:$0x3] =	sbarrier.arrive $0xFFFF;
	s2 =	simm.s32 @!p0 $0x1C02  }
0x187: {  	[timem:s3], [sflag:s2] =	dma.local @!p0 [hbm:s0], s1  }
0x188: {  	s0 =	simm.s32 @!p0 $0x2  }
0x189: {  	_ =	swait.ge @!p0 [sflag:s0], s1  }
0x18a: {  	s1 =	ssub.s32 @!p0 $0x0, s1;
	[sflag:s0] =	ssyncset.done @!p0 $0x0  }
0x18b: {  	[sflag:s0] =	ssyncadd.s32 @!p0 s1  }
0x18c: {  	[bflag:$0x3] =	sbarrier.arrive $0xFFFF  }
0x18d: {  	_ =	shalt  }

</sc_bundles>
